<compile_context>
chip_gen: v7x
topology: tpu7x:2x2x1
jax: 0.10.2.dev20260603
libtpu: 0.0.44.dev20260713+nightly
codegen_flags: <defaults>
</compile_context>

<pallas_src>
import functools
import math

import jax
import jax.numpy as jnp
from jax import lax
from jax.experimental import pallas as pl
from jax.experimental.pallas import tpu as pltpu
from jax.experimental.pallas import tpu_sc as plsc

_B = 4096 * 200
_D = 64
_NW = 32
_C = 512
_PER_W = _B // _NW
_ITERS = _PER_W // _C
_SCALE = math.sqrt(_D)

_mesh = plsc.VectorSubcoreMesh(
    core_axis_name="c", subcore_axis_name="s", num_cores=2, num_subcores=16
)


@functools.partial(
    pl.kernel,
    out_type=jax.ShapeDtypeStruct((_B, _D), jnp.float32),
    mesh=_mesh,
    compiler_params=pltpu.CompilerParams(use_tc_tiling_on_sc=False),
    scratch_types=[
        pltpu.VMEM((_PER_W,), jnp.int32),
        pltpu.VMEM((2, _C, _D), jnp.float32),
        pltpu.SemaphoreType.DMA((2,)),
        pltpu.SemaphoreType.DMA((2,)),
    ],
)
def _embed(tokens_hbm, table_hbm, out_hbm, idx_v, rows_v, gsem, osem):
    wid = lax.axis_index("s") * 2 + lax.axis_index("c")
    base = wid * _PER_W

    pltpu.sync_copy(tokens_hbm.at[pl.ds(base, _PER_W)], idx_v)

    def gather_desc(g, b):
        return pltpu.make_async_copy(
            table_hbm.at[idx_v.at[pl.ds(g * _C, _C)]], rows_v.at[b], gsem.at[b]
        )

    def out_desc(g, b):
        return pltpu.make_async_copy(
            rows_v.at[b], out_hbm.at[pl.ds(base + g * _C, _C)], osem.at[b]
        )

    gather_desc(0, 0).start()

    def pair(g2, carry):
        for b in range(2):
            g = 2 * g2 + b
            nb = 1 - b

            @pl.when(g + 1 < _ITERS)
            def _():
                @pl.when(g >= 1)
                def _():
                    out_desc(g - 1, nb).wait()

                gather_desc(g + 1, nb).start()

            gather_desc(g, b).wait()

            def scale_row(r, c2):
                for s in range(_D // 16):
                    sl = pl.ds(s * 16, 16)
                    rows_v[b, r, sl] = rows_v[b, r, sl] * _SCALE
                return c2

            lax.fori_loop(0, _C, scale_row, 0, unroll=8)
            out_desc(g, b).start()
        return carry

    lax.fori_loop(0, _ITERS // 2, pair, 0)

    out_desc(_ITERS - 2, 0).wait()
    out_desc(_ITERS - 1, 1).wait()


def kernel(tokens, table):
    flat = tokens.reshape(_B)
    out = _embed(flat, table)
    return out.reshape(tokens.shape[0], tokens.shape[1], _D)

# --- scband reference (transcript-rebuilt; emitter-appended) ---
"""Pipeline reference for scband-token-embedding-29205777613212 (READ-ONLY COPY).

The authoritative reference and input builder live on the scoring server;
editing this copy changes nothing except your own understanding.
"""

import jax, jax.numpy as jnp
import numpy as np
import math

VOCAB = 1000000
EMB = 64

def setup_inputs(seed: int = 0) -> dict:
    key = jax.random.key(seed)
    k1, k2 = jax.random.split(key)
    tokens = jax.random.randint(k1, (4096, 200), 0, VOCAB, dtype=jnp.int64 if jax.config.jax_enable_x64 else jnp.int32)
    table = jax.random.normal(k2, (VOCAB, EMB), dtype=jnp.float32)
    return {"tokens": tokens, "table": table}

def reference(tokens, table):
    # TokenEmbedding.forward: embedding lookup scaled by sqrt(emb_size)
    emb = jnp.take(table, tokens, axis=0)
    return emb * math.sqrt(EMB)

if __name__ == "__main__":
    import jax
    _d = setup_inputs()
    print(jax.jit(kernel)(*tuple(_d.values())))

</pallas_src>

<mosaic_0001>
#map = affine_map<(d0, d1) -> (0)>
#map1 = affine_map<(d0, d1) -> (0, 0)>
module attributes {stable_mosaic.version = 14 : i64} {
  func.func @_embed(%arg0: i32, %arg1: i32, %arg2: memref<819200xi32, #tpu.memory_space<hbm>>, %arg3: memref<1000000x64xf32, #tpu.memory_space<hbm>>, %arg4: memref<819200x64xf32, #tpu.memory_space<hbm>>, %arg5: memref<25600xi32, #tpu.memory_space<vmem>>, %arg6: memref<2x512x64xf32, #tpu.memory_space<vmem>>, %arg7: memref<2x!tpu.dma_semaphore, #tpu.memory_space<semaphore_mem>>, %arg8: memref<2x!tpu.dma_semaphore, #tpu.memory_space<semaphore_mem>>) attributes {dimension_semantics = [#tpu.dimension_semantics<core_parallel>, #tpu.dimension_semantics<subcore_parallel>], iteration_bounds = array<i64: 2, 16>, scalar_prefetch = 0 : i64, scratch_operands = 4 : i64, tpu.core_type = #tpu.core_type<sc_vector_subcore>, window_params = [{transform_indices = #map}, {transform_indices = #map1}, {transform_indices = #map1}]} {
    %mul3A = arith.constant 2 : i32
    %mul3A_0 = arith.muli %arg1, %mul3A : i32
    %add3A = arith.addi %mul3A_0, %arg0 : i32
    %mul3A_1 = arith.constant 25600 : i32
    %mul3A_2 = arith.muli %add3A, %mul3A_1 : i32
    "tpu.region"() ({
      %run_scoped3A = tpu.sem_alloc : memref<!tpu.dma_semaphore, #tpu.memory_space<semaphore_mem>>
      %dma_start3A_55 = tpu.memref_slice %arg2[%mul3A_2] : memref<819200xi32, #tpu.memory_space<hbm>> -> memref<25600xi32, #tpu.memory_space<hbm>>
      %dma_start3A_56 = tpu.memref_slice %arg2[%mul3A_2] : memref<819200xi32, #tpu.memory_space<hbm>> -> memref<25600xi32, #tpu.memory_space<hbm>>
      tpu.enqueue_dma source(%dma_start3A_56 : memref<25600xi32, #tpu.memory_space<hbm>>) target(%arg5 : memref<25600xi32, #tpu.memory_space<vmem>>) target_semaphore(%run_scoped3A : memref<!tpu.dma_semaphore, #tpu.memory_space<semaphore_mem>>)
      %dma_wait3A_57 = tpu.memref_slice %arg2[%mul3A_2] : memref<819200xi32, #tpu.memory_space<hbm>> -> memref<25600xi32, #tpu.memory_space<hbm>>
      %dma_wait3A_58 = tpu.memref_slice %arg2[%mul3A_2] : memref<819200xi32, #tpu.memory_space<hbm>> -> memref<25600xi32, #tpu.memory_space<hbm>>
      tpu.wait_dma2 semaphore(%run_scoped3A : memref<!tpu.dma_semaphore, #tpu.memory_space<semaphore_mem>>) src(%dma_wait3A_58 : memref<25600xi32, #tpu.memory_space<hbm>>) dst(%arg5 : memref<25600xi32, #tpu.memory_space<vmem>>)
      tpu.yield
    }) : () -> ()
    %dma_start3A = arith.constant 0 : i32
    %dma_start3A_3 = arith.constant 0 : i32
    %dma_start3A_4 = arith.constant 0 : i32
    %dma_start3A_5 = arith.constant 0 : i32
    %dma_start3A_6 = tpu.memref_slice %arg6[%dma_start3A, %dma_start3A_4, %dma_start3A_5] : memref<2x512x64xf32, #tpu.memory_space<vmem>> -> memref<1x512x64xf32, #tpu.memory_space<vmem>>
    %dma_start3A_7 = tpu.memref_squeeze %dma_start3A_6 : memref<1x512x64xf32, #tpu.memory_space<vmem>> -> memref<512x64xf32, #tpu.memory_space<vmem>>
    %dma_start3A_8 = arith.constant 0 : i32
    %dma_start3A_9 = tpu.memref_slice %arg5[%dma_start3A_8] : memref<25600xi32, #tpu.memory_space<vmem>> -> memref<512xi32, #tpu.memory_space<vmem>>
    %dma_start3A_10 = arith.constant 0 : i32
    %dma_start3A_11 = arith.constant 0 : i32
    %dma_start3A_12 = tpu.memref_slice %arg3[%dma_start3A_10, %dma_start3A_11] : memref<1000000x64xf32, #tpu.memory_space<hbm>> -> memref<1000000x64xf32, #tpu.memory_space<hbm>>
    %dma_start3A_13 = tpu.memref_slice %arg7[%dma_start3A_3] : memref<2x!tpu.dma_semaphore, #tpu.memory_space<semaphore_mem>> -> memref<1x!tpu.dma_semaphore, #tpu.memory_space<semaphore_mem>>
    %dma_start3A_14 = tpu.memref_squeeze %dma_start3A_13 : memref<1x!tpu.dma_semaphore, #tpu.memory_space<semaphore_mem>> -> memref<!tpu.dma_semaphore, #tpu.memory_space<semaphore_mem>>
    tpu.enqueue_indirect_dma source(%dma_start3A_12 : memref<1000000x64xf32, #tpu.memory_space<hbm>>) target(%dma_start3A_7 : memref<512x64xf32, #tpu.memory_space<vmem>>) offsets(%dma_start3A_9 : memref<512xi32, #tpu.memory_space<vmem>>) semaphore(%dma_start3A_14 : memref<!tpu.dma_semaphore, #tpu.memory_space<semaphore_mem>>)
    %scan3A = arith.constant 0 : i32
    %scan3A_15 = arith.constant 0 : i32
    %scan3A_16 = arith.constant 25 : i32
    %scan3A_17 = arith.addi %scan3A_15, %scan3A_16 : i32
    %scan3A_18 = arith.constant 1 : i32
    scf.for %scan3A_55 = %scan3A_15 to %scan3A_17 step %scan3A_18  : i32 {
      %mul3A_56 = arith.constant 2 : i32
      %mul3A_57 = arith.muli %mul3A_56, %scan3A_55 : i32
      %add3A_58 = arith.constant 0 : i32
      %add3A_59 = arith.addi %mul3A_57, %add3A_58 : i32
      %add3A_60 = arith.constant 1 : i32
      %add3A_61 = arith.addi %add3A_59, %add3A_60 : i32
      %lt3A = arith.constant 50 : i32
      %lt3A_62 = arith.cmpi slt, %add3A_61, %lt3A : i32
      %convert_element_type3A = arith.extui %lt3A_62 : i1 to i32
      %cond3A = arith.constant 0 : i32
      %cond3A_63 = arith.cmpi ne, %convert_element_type3A, %cond3A : i32
      scf.if %cond3A_63 {
        %ge3A = arith.constant 1 : i32
        %ge3A_153 = arith.cmpi sge, %add3A_59, %ge3A : i32
        %convert_element_type3A_154 = arith.extui %ge3A_153 : i1 to i32
        %cond3A_155 = arith.constant 0 : i32
        %cond3A_156 = arith.cmpi ne, %convert_element_type3A_154, %cond3A_155 : i32
        scf.if %cond3A_156 {
          %sub3A = arith.constant 1 : i32
          %sub3A_173 = arith.subi %add3A_59, %sub3A : i32
          %mul3A_174 = arith.constant 512 : i32
          %mul3A_175 = arith.muli %sub3A_173, %mul3A_174 : i32
          %add3A_176 = arith.addi %mul3A_2, %mul3A_175 : i32
          %dma_wait3A_177 = arith.constant 1 : i32
          %dma_wait3A_178 = arith.constant 1 : i32
          %dma_wait3A_179 = arith.constant 0 : i32
          %dma_wait3A_180 = arith.constant 0 : i32
          %dma_wait3A_181 = tpu.memref_slice %arg6[%dma_wait3A_177, %dma_wait3A_179, %dma_wait3A_180] : memref<2x512x64xf32, #tpu.memory_space<vmem>> -> memref<1x512x64xf32, #tpu.memory_space<vmem>>
          %dma_wait3A_182 = tpu.memref_squeeze %dma_wait3A_181 : memref<1x512x64xf32, #tpu.memory_space<vmem>> -> memref<512x64xf32, #tpu.memory_space<vmem>>
          %dma_wait3A_183 = arith.constant 0 : i32
          %dma_wait3A_184 = tpu.memref_slice %arg4[%add3A_176, %dma_wait3A_183] : memref<819200x64xf32, #tpu.memory_space<hbm>> -> memref<512x64xf32, #tpu.memory_space<hbm>>
          %dma_wait3A_185 = tpu.memref_slice %arg8[%dma_wait3A_178] : memref<2x!tpu.dma_semaphore, #tpu.memory_space<semaphore_mem>> -> memref<1x!tpu.dma_semaphore, #tpu.memory_space<semaphore_mem>>
          %dma_wait3A_186 = tpu.memref_squeeze %dma_wait3A_185 : memref<1x!tpu.dma_semaphore, #tpu.memory_space<semaphore_mem>> -> memref<!tpu.dma_semaphore, #tpu.memory_space<semaphore_mem>>
          %dma_wait3A_187 = arith.constant 0 : i32
          %dma_wait3A_188 = tpu.memref_slice %arg4[%add3A_176, %dma_wait3A_187] : memref<819200x64xf32, #tpu.memory_space<hbm>> -> memref<512x64xf32, #tpu.memory_space<hbm>>
          %dma_wait3A_189 = arith.constant 0 : i32
          %dma_wait3A_190 = arith.constant 0 : i32
          %dma_wait3A_191 = tpu.memref_slice %arg6[%dma_wait3A_177, %dma_wait3A_189, %dma_wait3A_190] : memref<2x512x64xf32, #tpu.memory_space<vmem>> -> memref<1x512x64xf32, #tpu.memory_space<vmem>>
          %dma_wait3A_192 = tpu.memref_squeeze %dma_wait3A_191 : memref<1x512x64xf32, #tpu.memory_space<vmem>> -> memref<512x64xf32, #tpu.memory_space<vmem>>
          tpu.wait_dma2 semaphore(%dma_wait3A_186 : memref<!tpu.dma_semaphore, #tpu.memory_space<semaphore_mem>>) src(%dma_wait3A_192 : memref<512x64xf32, #tpu.memory_space<vmem>>) dst(%dma_wait3A_188 : memref<512x64xf32, #tpu.memory_space<hbm>>)
        } else {
        }
        %add3A_157 = arith.constant 1 : i32
        %add3A_158 = arith.addi %add3A_59, %add3A_157 : i32
        %mul3A_159 = arith.constant 512 : i32
        %mul3A_160 = arith.muli %add3A_158, %mul3A_159 : i32
        %dma_start3A_161 = arith.constant 1 : i32
        %dma_start3A_162 = arith.constant 1 : i32
        %dma_start3A_163 = arith.constant 0 : i32
        %dma_start3A_164 = arith.constant 0 : i32
        %dma_start3A_165 = tpu.memref_slice %arg6[%dma_start3A_161, %dma_start3A_163, %dma_start3A_164] : memref<2x512x64xf32, #tpu.memory_space<vmem>> -> memref<1x512x64xf32, #tpu.memory_space<vmem>>
        %dma_start3A_166 = tpu.memref_squeeze %dma_start3A_165 : memref<1x512x64xf32, #tpu.memory_space<vmem>> -> memref<512x64xf32, #tpu.memory_space<vmem>>
        %dma_start3A_167 = tpu.memref_slice %arg5[%mul3A_160] : memref<25600xi32, #tpu.memory_space<vmem>> -> memref<512xi32, #tpu.memory_space<vmem>>
        %dma_start3A_168 = arith.constant 0 : i32
        %dma_start3A_169 = arith.constant 0 : i32
        %dma_start3A_170 = tpu.memref_slice %arg3[%dma_start3A_168, %dma_start3A_169] : memref<1000000x64xf32, #tpu.memory_space<hbm>> -> memref<1000000x64xf32, #tpu.memory_space<hbm>>
        %dma_start3A_171 = tpu.memref_slice %arg7[%dma_start3A_162] : memref<2x!tpu.dma_semaphore, #tpu.memory_space<semaphore_mem>> -> memref<1x!tpu.dma_semaphore, #tpu.memory_space<semaphore_mem>>
        %dma_start3A_172 = tpu.memref_squeeze %dma_start3A_171 : memref<1x!tpu.dma_semaphore, #tpu.memory_space<semaphore_mem>> -> memref<!tpu.dma_semaphore, #tpu.memory_space<semaphore_mem>>
        tpu.enqueue_indirect_dma source(%dma_start3A_170 : memref<1000000x64xf32, #tpu.memory_space<hbm>>) target(%dma_start3A_166 : memref<512x64xf32, #tpu.memory_space<vmem>>) offsets(%dma_start3A_167 : memref<512xi32, #tpu.memory_space<vmem>>) semaphore(%dma_start3A_172 : memref<!tpu.dma_semaphore, #tpu.memory_space<semaphore_mem>>)
      } else {
      }
      %mul3A_64 = arith.constant 512 : i32
      %mul3A_65 = arith.muli %add3A_59, %mul3A_64 : i32
      %dma_wait3A_66 = arith.constant 0 : i32
      %dma_wait3A_67 = arith.constant 0 : i32
      %dma_wait3A_68 = arith.constant 0 : i32
      %dma_wait3A_69 = arith.constant 0 : i32
      %dma_wait3A_70 = tpu.memref_slice %arg6[%dma_wait3A_66, %dma_wait3A_68, %dma_wait3A_69] : memref<2x512x64xf32, #tpu.memory_space<vmem>> -> memref<1x512x64xf32, #tpu.memory_space<vmem>>
      %dma_wait3A_71 = tpu.memref_squeeze %dma_wait3A_70 : memref<1x512x64xf32, #tpu.memory_space<vmem>> -> memref<512x64xf32, #tpu.memory_space<vmem>>
      %dma_wait3A_72 = tpu.memref_slice %arg5[%mul3A_65] : memref<25600xi32, #tpu.memory_space<vmem>> -> memref<512xi32, #tpu.memory_space<vmem>>
      %dma_wait3A_73 = arith.constant 0 : i32
      %dma_wait3A_74 = arith.constant 0 : i32
      %dma_wait3A_75 = tpu.memref_slice %arg3[%dma_wait3A_73, %dma_wait3A_74] : memref<1000000x64xf32, #tpu.memory_space<hbm>> -> memref<1000000x64xf32, #tpu.memory_space<hbm>>
      %dma_wait3A_76 = tpu.memref_slice %arg7[%dma_wait3A_67] : memref<2x!tpu.dma_semaphore, #tpu.memory_space<semaphore_mem>> -> memref<1x!tpu.dma_semaphore, #tpu.memory_space<semaphore_mem>>
      %dma_wait3A_77 = tpu.memref_squeeze %dma_wait3A_76 : memref<1x!tpu.dma_semaphore, #tpu.memory_space<semaphore_mem>> -> memref<!tpu.dma_semaphore, #tpu.memory_space<semaphore_mem>>
      tpu.wait_indirect_dma semaphore(%dma_wait3A_77 : memref<!tpu.dma_semaphore, #tpu.memory_space<semaphore_mem>>) src(%dma_wait3A_75 : memref<1000000x64xf32, #tpu.memory_space<hbm>>) dst(%dma_wait3A_71 : memref<512x64xf32, #tpu.memory_space<vmem>>)
      %scan3A_78 = arith.constant 0 : i32
      %scan3A_79 = arith.constant 0 : i32
      %scan3A_80 = arith.constant 512 : i32
      %scan3A_81 = arith.addi %scan3A_79, %scan3A_80 : i32
      %scan3A_82 = arith.constant 8 : i32
      scf.for %scan3A_153 = %scan3A_79 to %scan3A_81 step %scan3A_82  : i32 {
        %get3A = arith.constant 0 : i32
        %get3A_154 = arith.index_cast %get3A : i32 to index
        %get3A_155 = arith.index_cast %scan3A_153 : i32 to index
        %get3A_156 = arith.constant 0 : index
        %get3A_157 = tpu.vector_load %arg6[%get3A_154, %get3A_155, %get3A_156] {strides = array<i32>} : memref<2x512x64xf32, #tpu.memory_space<vmem>>, vector<1x1x16xf32>,
        %get3A_158 = vector.shape_cast %get3A_157 : vector<1x1x16xf32> to vector<16xf32>
        %mul3A_159 = arith.constant 8.000000e+00 : f32
        %mul3A_160 = vector.broadcast %mul3A_159 : f32 to vector<16xf32>
        %mul3A_161 = arith.mulf %get3A_158, %mul3A_160 : vector<16xf32>
        %swap3A = arith.constant 0 : i32
        %swap3A_162 = arith.index_cast %swap3A : i32 to index
        %swap3A_163 = arith.index_cast %scan3A_153 : i32 to index
        %swap3A_164 = arith.constant 0 : index
        %swap3A_165 = tpu.vector_load %arg6[%swap3A_162, %swap3A_163, %swap3A_164] {strides = array<i32>} : memref<2x512x64xf32, #tpu.memory_space<vmem>>, vector<1x1x16xf32>,
        %swap3A_166 = vector.shape_cast %swap3A_165 : vector<1x1x16xf32> to vector<16xf32>
        %swap3A_167 = vector.shape_cast %mul3A_161 : vector<16xf32> to vector<1x1x16xf32>
        tpu.vector_store %arg6[%swap3A_162, %swap3A_163, %swap3A_164], %swap3A_167 {strides = array<i32>} : memref<2x512x64xf32, #tpu.memory_space<vmem>>, vector<1x1x16xf32>,
        %get3A_168 = arith.constant 0 : i32
        %get3A_169 = arith.index_cast %get3A_168 : i32 to index
        %get3A_170 = arith.index_cast %scan3A_153 : i32 to index
        %get3A_171 = arith.constant 16 : index
        %get3A_172 = tpu.vector_load %arg6[%get3A_169, %get3A_170, %get3A_171] {strides = array<i32>} : memref<2x512x64xf32, #tpu.memory_space<vmem>>, vector<1x1x16xf32>,
        %get3A_173 = vector.shape_cast %get3A_172 : vector<1x1x16xf32> to vector<16xf32>
        %mul3A_174 = arith.constant 8.000000e+00 : f32
        %mul3A_175 = vector.broadcast %mul3A_174 : f32 to vector<16xf32>
        %mul3A_176 = arith.mulf %get3A_173, %mul3A_175 : vector<16xf32>
        %swap3A_177 = arith.constant 0 : i32
        %swap3A_178 = arith.index_cast %swap3A_177 : i32 to index
        %swap3A_179 = arith.index_cast %scan3A_153 : i32 to index
        %swap3A_180 = arith.constant 16 : index
        %swap3A_181 = tpu.vector_load %arg6[%swap3A_178, %swap3A_179, %swap3A_180] {strides = array<i32>} : memref<2x512x64xf32, #tpu.memory_space<vmem>>, vector<1x1x16xf32>,
        %swap3A_182 = vector.shape_cast %swap3A_181 : vector<1x1x16xf32> to vector<16xf32>
        %swap3A_183 = vector.shape_cast %mul3A_176 : vector<16xf32> to vector<1x1x16xf32>
        tpu.vector_store %arg6[%swap3A_178, %swap3A_179, %swap3A_180], %swap3A_183 {strides = array<i32>} : memref<2x512x64xf32, #tpu.memory_space<vmem>>, vector<1x1x16xf32>,
        %get3A_184 = arith.constant 0 : i32
        %get3A_185 = arith.index_cast %get3A_184 : i32 to index
        %get3A_186 = arith.index_cast %scan3A_153 : i32 to index
        %get3A_187 = arith.constant 32 : index
        %get3A_188 = tpu.vector_load %arg6[%get3A_185, %get3A_186, %get3A_187] {strides = array<i32>} : memref<2x512x64xf32, #tpu.memory_space<vmem>>, vector<1x1x16xf32>,
        %get3A_189 = vector.shape_cast %get3A_188 : vector<1x1x16xf32> to vector<16xf32>
        %mul3A_190 = arith.constant 8.000000e+00 : f32
        %mul3A_191 = vector.broadcast %mul3A_190 : f32 to vector<16xf32>
        %mul3A_192 = arith.mulf %get3A_189, %mul3A_191 : vector<16xf32>
        %swap3A_193 = arith.constant 0 : i32
        %swap3A_194 = arith.index_cast %swap3A_193 : i32 to index
        %swap3A_195 = arith.index_cast %scan3A_153 : i32 to index
        %swap3A_196 = arith.constant 32 : index
        %swap3A_197 = tpu.vector_load %arg6[%swap3A_194, %swap3A_195, %swap3A_196] {strides = array<i32>} : memref<2x512x64xf32, #tpu.memory_space<vmem>>, vector<1x1x16xf32>,
        %swap3A_198 = vector.shape_cast %swap3A_197 : vector<1x1x16xf32> to vector<16xf32>
        %swap3A_199 = vector.shape_cast %mul3A_192 : vector<16xf32> to vector<1x1x16xf32>
        tpu.vector_store %arg6[%swap3A_194, %swap3A_195, %swap3A_196], %swap3A_199 {strides = array<i32>} : memref<2x512x64xf32, #tpu.memory_space<vmem>>, vector<1x1x16xf32>,
        %get3A_200 = arith.constant 0 : i32
        %get3A_201 = arith.index_cast %get3A_200 : i32 to index
        %get3A_202 = arith.index_cast %scan3A_153 : i32 to index
        %get3A_203 = arith.constant 48 : index
        %get3A_204 = tpu.vector_load %arg6[%get3A_201, %get3A_202, %get3A_203] {strides = array<i32>} : memref<2x512x64xf32, #tpu.memory_space<vmem>>, vector<1x1x16xf32>,
        %get3A_205 = vector.shape_cast %get3A_204 : vector<1x1x16xf32> to vector<16xf32>
        %mul3A_206 = arith.constant 8.000000e+00 : f32
        %mul3A_207 = vector.broadcast %mul3A_206 : f32 to vector<16xf32>
        %mul3A_208 = arith.mulf %get3A_205, %mul3A_207 : vector<16xf32>
        %swap3A_209 = arith.constant 0 : i32
        %swap3A_210 = arith.index_cast %swap3A_209 : i32 to index
        %swap3A_211 = arith.index_cast %scan3A_153 : i32 to index
        %swap3A_212 = arith.constant 48 : index
        %swap3A_213 = tpu.vector_load %arg6[%swap3A_210, %swap3A_211, %swap3A_212] {strides = array<i32>} : memref<2x512x64xf32, #tpu.memory_space<vmem>>, vector<1x1x16xf32>,
        %swap3A_214 = vector.shape_cast %swap3A_213 : vector<1x1x16xf32> to vector<16xf32>
        %swap3A_215 = vector.shape_cast %mul3A_208 : vector<16xf32> to vector<1x1x16xf32>
        tpu.vector_store %arg6[%swap3A_210, %swap3A_211, %swap3A_212], %swap3A_215 {strides = array<i32>} : memref<2x512x64xf32, #tpu.memory_space<vmem>>, vector<1x1x16xf32>,
        %scan3A_216 = arith.constant 1 : i32
        %scan3A_217 = arith.addi %scan3A_153, %scan3A_216 : i32
        %get3A_218 = arith.constant 0 : i32
        %get3A_219 = arith.index_cast %get3A_218 : i32 to index
        %get3A_220 = arith.index_cast %scan3A_217 : i32 to index
        %get3A_221 = arith.constant 0 : index
        %get3A_222 = tpu.vector_load %arg6[%get3A_219, %get3A_220, %get3A_221] {strides = array<i32>} : memref<2x512x64xf32, #tpu.memory_space<vmem>>, vector<1x1x16xf32>,
        %get3A_223 = vector.shape_cast %get3A_222 : vector<1x1x16xf32> to vector<16xf32>
        %mul3A_224 = arith.constant 8.000000e+00 : f32
        %mul3A_225 = vector.broadcast %mul3A_224 : f32 to vector<16xf32>
        %mul3A_226 = arith.mulf %get3A_223, %mul3A_225 : vector<16xf32>
        %swap3A_227 = arith.constant 0 : i32
        %swap3A_228 = arith.index_cast %swap3A_227 : i32 to index
        %swap3A_229 = arith.index_cast %scan3A_217 : i32 to index
        %swap3A_230 = arith.constant 0 : index
        %swap3A_231 = tpu.vector_load %arg6[%swap3A_228, %swap3A_229, %swap3A_230] {strides = array<i32>} : memref<2x512x64xf32, #tpu.memory_space<vmem>>, vector<1x1x16xf32>,
        %swap3A_232 = vector.shape_cast %swap3A_231 : vector<1x1x16xf32> to vector<16xf32>
        %swap3A_233 = vector.shape_cast %mul3A_226 : vector<16xf32> to vector<1x1x16xf32>
        tpu.vector_store %arg6[%swap3A_228, %swap3A_229, %swap3A_230], %swap3A_233 {strides = array<i32>} : memref<2x512x64xf32, #tpu.memory_space<vmem>>, vector<1x1x16xf32>,
        %get3A_234 = arith.constant 0 : i32
        %get3A_235 = arith.index_cast %get3A_234 : i32 to index
        %get3A_236 = arith.index_cast %scan3A_217 : i32 to index
        %get3A_237 = arith.constant 16 : index
        %get3A_238 = tpu.vector_load %arg6[%get3A_235, %get3A_236, %get3A_237] {strides = array<i32>} : memref<2x512x64xf32, #tpu.memory_space<vmem>>, vector<1x1x16xf32>,
        %get3A_239 = vector.shape_cast %get3A_238 : vector<1x1x16xf32> to vector<16xf32>
        %mul3A_240 = arith.constant 8.000000e+00 : f32
        %mul3A_241 = vector.broadcast %mul3A_240 : f32 to vector<16xf32>
        %mul3A_242 = arith.mulf %get3A_239, %mul3A_241 : vector<16xf32>
        %swap3A_243 = arith.constant 0 : i32
        %swap3A_244 = arith.index_cast %swap3A_243 : i32 to index
        %swap3A_245 = arith.index_cast %scan3A_217 : i32 to index
        %swap3A_246 = arith.constant 16 : index
        %swap3A_247 = tpu.vector_load %arg6[%swap3A_244, %swap3A_245, %swap3A_246] {strides = array<i32>} : memref<2x512x64xf32, #tpu.memory_space<vmem>>, vector<1x1x16xf32>,
        %swap3A_248 = vector.shape_cast %swap3A_247 : vector<1x1x16xf32> to vector<16xf32>
        %swap3A_249 = vector.shape_cast %mul3A_242 : vector<16xf32> to vector<1x1x16xf32>
        tpu.vector_store %arg6[%swap3A_244, %swap3A_245, %swap3A_246], %swap3A_249 {strides = array<i32>} : memref<2x512x64xf32, #tpu.memory_space<vmem>>, vector<1x1x16xf32>,
        %get3A_250 = arith.constant 0 : i32
        %get3A_251 = arith.index_cast %get3A_250 : i32 to index
        %get3A_252 = arith.index_cast %scan3A_217 : i32 to index
        %get3A_253 = arith.constant 32 : index
        %get3A_254 = tpu.vector_load %arg6[%get3A_251, %get3A_252, %get3A_253] {strides = array<i32>} : memref<2x512x64xf32, #tpu.memory_space<vmem>>, vector<1x1x16xf32>,
        %get3A_255 = vector.shape_cast %get3A_254 : vector<1x1x16xf32> to vector<16xf32>
        %mul3A_256 = arith.constant 8.000000e+00 : f32
        %mul3A_257 = vector.broadcast %mul3A_256 : f32 to vector<16xf32>
        %mul3A_258 = arith.mulf %get3A_255, %mul3A_257 : vector<16xf32>
        %swap3A_259 = arith.constant 0 : i32
        %swap3A_260 = arith.index_cast %swap3A_259 : i32 to index
        %swap3A_261 = arith.index_cast %scan3A_217 : i32 to index
        %swap3A_262 = arith.constant 32 : index
        %swap3A_263 = tpu.vector_load %arg6[%swap3A_260, %swap3A_261, %swap3A_262] {strides = array<i32>} : memref<2x512x64xf32, #tpu.memory_space<vmem>>, vector<1x1x16xf32>,
        %swap3A_264 = vector.shape_cast %swap3A_263 : vector<1x1x16xf32> to vector<16xf32>
        %swap3A_265 = vector.shape_cast %mul3A_258 : vector<16xf32> to vector<1x1x16xf32>
        tpu.vector_store %arg6[%swap3A_260, %swap3A_261, %swap3A_262], %swap3A_265 {strides = array<i32>} : memref<2x512x64xf32, #tpu.memory_space<vmem>>, vector<1x1x16xf32>,
        %get3A_266 = arith.constant 0 : i32
        %get3A_267 = arith.index_cast %get3A_266 : i32 to index
        %get3A_268 = arith.index_cast %scan3A_217 : i32 to index
        %get3A_269 = arith.constant 48 : index
        %get3A_270 = tpu.vector_load %arg6[%get3A_267, %get3A_268, %get3A_269] {strides = array<i32>} : memref<2x512x64xf32, #tpu.memory_space<vmem>>, vector<1x1x16xf32>,
        %get3A_271 = vector.shape_cast %get3A_270 : vector<1x1x16xf32> to vector<16xf32>
        %mul3A_272 = arith.constant 8.000000e+00 : f32
        %mul3A_273 = vector.broadcast %mul3A_272 : f32 to vector<16xf32>
        %mul3A_274 = arith.mulf %get3A_271, %mul3A_273 : vector<16xf32>
        %swap3A_275 = arith.constant 0 : i32
        %swap3A_276 = arith.index_cast %swap3A_275 : i32 to index
        %swap3A_277 = arith.index_cast %scan3A_217 : i32 to index
        %swap3A_278 = arith.constant 48 : index
        %swap3A_279 = tpu.vector_load %arg6[%swap3A_276, %swap3A_277, %swap3A_278] {strides = array<i32>} : memref<2x512x64xf32, #tpu.memory_space<vmem>>, vector<1x1x16xf32>,
        %swap3A_280 = vector.shape_cast %swap3A_279 : vector<1x1x16xf32> to vector<16xf32>
        %swap3A_281 = vector.shape_cast %mul3A_274 : vector<16xf32> to vector<1x1x16xf32>
        tpu.vector_store %arg6[%swap3A_276, %swap3A_277, %swap3A_278], %swap3A_281 {strides = array<i32>} : memref<2x512x64xf32, #tpu.memory_space<vmem>>, vector<1x1x16xf32>,
        %scan3A_282 = arith.constant 2 : i32
        %scan3A_283 = arith.addi %scan3A_153, %scan3A_282 : i32
        %get3A_284 = arith.constant 0 : i32
        %get3A_285 = arith.index_cast %get3A_284 : i32 to index
        %get3A_286 = arith.index_cast %scan3A_283 : i32 to index
        %get3A_287 = arith.constant 0 : index
        %get3A_288 = tpu.vector_load %arg6[%get3A_285, %get3A_286, %get3A_287] {strides = array<i32>} : memref<2x512x64xf32, #tpu.memory_space<vmem>>, vector<1x1x16xf32>,
        %get3A_289 = vector.shape_cast %get3A_288 : vector<1x1x16xf32> to vector<16xf32>
        %mul3A_290 = arith.constant 8.000000e+00 : f32
        %mul3A_291 = vector.broadcast %mul3A_290 : f32 to vector<16xf32>
        %mul3A_292 = arith.mulf %get3A_289, %mul3A_291 : vector<16xf32>
        %swap3A_293 = arith.constant 0 : i32
        %swap3A_294 = arith.index_cast %swap3A_293 : i32 to index
        %swap3A_295 = arith.index_cast %scan3A_283 : i32 to index
        %swap3A_296 = arith.constant 0 : index
        %swap3A_297 = tpu.vector_load %arg6[%swap3A_294, %swap3A_295, %swap3A_296] {strides = array<i32>} : memref<2x512x64xf32, #tpu.memory_space<vmem>>, vector<1x1x16xf32>,
        %swap3A_298 = vector.shape_cast %swap3A_297 : vector<1x1x16xf32> to vector<16xf32>
        %swap3A_299 = vector.shape_cast %mul3A_292 : vector<16xf32> to vector<1x1x16xf32>
        tpu.vector_store %arg6[%swap3A_294, %swap3A_295, %swap3A_296], %swap3A_299 {strides = array<i32>} : memref<2x512x64xf32, #tpu.memory_space<vmem>>, vector<1x1x16xf32>,
        %get3A_300 = arith.constant 0 : i32
        %get3A_301 = arith.index_cast %get3A_300 : i32 to index
        %get3A_302 = arith.index_cast %scan3A_283 : i32 to index
        %get3A_303 = arith.constant 16 : index
        %get3A_304 = tpu.vector_load %arg6[%get3A_301, %get3A_302, %get3A_303] {strides = array<i32>} : memref<2x512x64xf32, #tpu.memory_space<vmem>>, vector<1x1x16xf32>,
        %get3A_305 = vector.shape_cast %get3A_304 : vector<1x1x16xf32> to vector<16xf32>
        %mul3A_306 = arith.constant 8.000000e+00 : f32
        %mul3A_307 = vector.broadcast %mul3A_306 : f32 to vector<16xf32>
        %mul3A_308 = arith.mulf %get3A_305, %mul3A_307 : vector<16xf32>
        %swap3A_309 = arith.constant 0 : i32
        %swap3A_310 = arith.index_cast %swap3A_309 : i32 to index
        %swap3A_311 = arith.index_cast %scan3A_283 : i32 to index
        %swap3A_312 = arith.constant 16 : index
        %swap3A_313 = tpu.vector_load %arg6[%swap3A_310, %swap3A_311, %swap3A_312] {strides = array<i32>} : memref<2x512x64xf32, #tpu.memory_space<vmem>>, vector<1x1x16xf32>,
        %swap3A_314 = vector.shape_cast %swap3A_313 : vector<1x1x16xf32> to vector<16xf32>
        %swap3A_315 = vector.shape_cast %mul3A_308 : vector<16xf32> to vector<1x1x16xf32>
        tpu.vector_store %arg6[%swap3A_310, %swap3A_311, %swap3A_312], %swap3A_315 {strides = array<i32>} : memref<2x512x64xf32, #tpu.memory_space<vmem>>, vector<1x1x16xf32>,
        %get3A_316 = arith.constant 0 : i32
        %get3A_317 = arith.index_cast %get3A_316 : i32 to index
        %get3A_318 = arith.index_cast %scan3A_283 : i32 to index
        %get3A_319 = arith.constant 32 : index
        %get3A_320 = tpu.vector_load %arg6[%get3A_317, %get3A_318, %get3A_319] {strides = array<i32>} : memref<2x512x64xf32, #tpu.memory_space<vmem>>, vector<1x1x16xf32>,
        %get3A_321 = vector.shape_cast %get3A_320 : vector<1x1x16xf32> to vector<16xf32>
        %mul3A_322 = arith.constant 8.000000e+00 : f32
        %mul3A_323 = vector.broadcast %mul3A_322 : f32 to vector<16xf32>
        %mul3A_324 = arith.mulf %get3A_321, %mul3A_323 : vector<16xf32>
        %swap3A_325 = arith.constant 0 : i32
        %swap3A_326 = arith.index_cast %swap3A_325 : i32 to index
        %swap3A_327 = arith.index_cast %scan3A_283 : i32 to index
        %swap3A_328 = arith.constant 32 : index
        %swap3A_329 = tpu.vector_load %arg6[%swap3A_326, %swap3A_327, %swap3A_328] {strides = array<i32>} : memref<2x512x64xf32, #tpu.memory_space<vmem>>, vector<1x1x16xf32>,
        %swap3A_330 = vector.shape_cast %swap3A_329 : vector<1x1x16xf32> to vector<16xf32>
        %swap3A_331 = vector.shape_cast %mul3A_324 : vector<16xf32> to vector<1x1x16xf32>
        tpu.vector_store %arg6[%swap3A_326, %swap3A_327, %swap3A_328], %swap3A_331 {strides = array<i32>} : memref<2x512x64xf32, #tpu.memory_space<vmem>>, vector<1x1x16xf32>,
        %get3A_332 = arith.constant 0 : i32
        %get3A_333 = arith.index_cast %get3A_332 : i32 to index
        %get3A_334 = arith.index_cast %scan3A_283 : i32 to index
        %get3A_335 = arith.constant 48 : index
        %get3A_336 = tpu.vector_load %arg6[%get3A_333, %get3A_334, %get3A_335] {strides = array<i32>} : memref<2x512x64xf32, #tpu.memory_space<vmem>>, vector<1x1x16xf32>,
        %get3A_337 = vector.shape_cast %get3A_336 : vector<1x1x16xf32> to vector<16xf32>
        %mul3A_338 = arith.constant 8.000000e+00 : f32
        %mul3A_339 = vector.broadcast %mul3A_338 : f32 to vector<16xf32>
        %mul3A_340 = arith.mulf %get3A_337, %mul3A_339 : vector<16xf32>
        %swap3A_341 = arith.constant 0 : i32
        %swap3A_342 = arith.index_cast %swap3A_341 : i32 to index
        %swap3A_343 = arith.index_cast %scan3A_283 : i32 to index
        %swap3A_344 = arith.constant 48 : index
        %swap3A_345 = tpu.vector_load %arg6[%swap3A_342, %swap3A_343, %swap3A_344] {strides = array<i32>} : memref<2x512x64xf32, #tpu.memory_space<vmem>>, vector<1x1x16xf32>,
        %swap3A_346 = vector.shape_cast %swap3A_345 : vector<1x1x16xf32> to vector<16xf32>
        %swap3A_347 = vector.shape_cast %mul3A_340 : vector<16xf32> to vector<1x1x16xf32>
        tpu.vector_store %arg6[%swap3A_342, %swap3A_343, %swap3A_344], %swap3A_347 {strides = array<i32>} : memref<2x512x64xf32, #tpu.memory_space<vmem>>, vector<1x1x16xf32>,
        %scan3A_348 = arith.constant 3 : i32
        %scan3A_349 = arith.addi %scan3A_153, %scan3A_348 : i32
        %get3A_350 = arith.constant 0 : i32
        %get3A_351 = arith.index_cast %get3A_350 : i32 to index
        %get3A_352 = arith.index_cast %scan3A_349 : i32 to index
        %get3A_353 = arith.constant 0 : index
        %get3A_354 = tpu.vector_load %arg6[%get3A_351, %get3A_352, %get3A_353] {strides = array<i32>} : memref<2x512x64xf32, #tpu.memory_space<vmem>>, vector<1x1x16xf32>,
        %get3A_355 = vector.shape_cast %get3A_354 : vector<1x1x16xf32> to vector<16xf32>
        %mul3A_356 = arith.constant 8.000000e+00 : f32
        %mul3A_357 = vector.broadcast %mul3A_356 : f32 to vector<16xf32>
        %mul3A_358 = arith.mulf %get3A_355, %mul3A_357 : vector<16xf32>
        %swap3A_359 = arith.constant 0 : i32
        %swap3A_360 = arith.index_cast %swap3A_359 : i32 to index
        %swap3A_361 = arith.index_cast %scan3A_349 : i32 to index
        %swap3A_362 = arith.constant 0 : index
        %swap3A_363 = tpu.vector_load %arg6[%swap3A_360, %swap3A_361, %swap3A_362] {strides = array<i32>} : memref<2x512x64xf32, #tpu.memory_space<vmem>>, vector<1x1x16xf32>,
        %swap3A_364 = vector.shape_cast %swap3A_363 : vector<1x1x16xf32> to vector<16xf32>
        %swap3A_365 = vector.shape_cast %mul3A_358 : vector<16xf32> to vector<1x1x16xf32>
        tpu.vector_store %arg6[%swap3A_360, %swap3A_361, %swap3A_362], %swap3A_365 {strides = array<i32>} : memref<2x512x64xf32, #tpu.memory_space<vmem>>, vector<1x1x16xf32>,
        %get3A_366 = arith.constant 0 : i32
        %get3A_367 = arith.index_cast %get3A_366 : i32 to index
        %get3A_368 = arith.index_cast %scan3A_349 : i32 to index
        %get3A_369 = arith.constant 16 : index
        %get3A_370 = tpu.vector_load %arg6[%get3A_367, %get3A_368, %get3A_369] {strides = array<i32>} : memref<2x512x64xf32, #tpu.memory_space<vmem>>, vector<1x1x16xf32>,
        %get3A_371 = vector.shape_cast %get3A_370 : vector<1x1x16xf32> to vector<16xf32>
        %mul3A_372 = arith.constant 8.000000e+00 : f32
        %mul3A_373 = vector.broadcast %mul3A_372 : f32 to vector<16xf32>
        %mul3A_374 = arith.mulf %get3A_371, %mul3A_373 : vector<16xf32>
        %swap3A_375 = arith.constant 0 : i32
        %swap3A_376 = arith.index_cast %swap3A_375 : i32 to index
        %swap3A_377 = arith.index_cast %scan3A_349 : i32 to index
        %swap3A_378 = arith.constant 16 : index
        %swap3A_379 = tpu.vector_load %arg6[%swap3A_376, %swap3A_377, %swap3A_378] {strides = array<i32>} : memref<2x512x64xf32, #tpu.memory_space<vmem>>, vector<1x1x16xf32>,
        %swap3A_380 = vector.shape_cast %swap3A_379 : vector<1x1x16xf32> to vector<16xf32>
        %swap3A_381 = vector.shape_cast %mul3A_374 : vector<16xf32> to vector<1x1x16xf32>
        tpu.vector_store %arg6[%swap3A_376, %swap3A_377, %swap3A_378], %swap3A_381 {strides = array<i32>} : memref<2x512x64xf32, #tpu.memory_space<vmem>>, vector<1x1x16xf32>,
        %get3A_382 = arith.constant 0 : i32
        %get3A_383 = arith.index_cast %get3A_382 : i32 to index
        %get3A_384 = arith.index_cast %scan3A_349 : i32 to index
        %get3A_385 = arith.constant 32 : index
        %get3A_386 = tpu.vector_load %arg6[%get3A_383, %get3A_384, %get3A_385] {strides = array<i32>} : memref<2x512x64xf32, #tpu.memory_space<vmem>>, vector<1x1x16xf32>,
        %get3A_387 = vector.shape_cast %get3A_386 : vector<1x1x16xf32> to vector<16xf32>
        %mul3A_388 = arith.constant 8.000000e+00 : f32
        %mul3A_389 = vector.broadcast %mul3A_388 : f32 to vector<16xf32>
        %mul3A_390 = arith.mulf %get3A_387, %mul3A_389 : vector<16xf32>
        %swap3A_391 = arith.constant 0 : i32
        %swap3A_392 = arith.index_cast %swap3A_391 : i32 to index
        %swap3A_393 = arith.index_cast %scan3A_349 : i32 to index
        %swap3A_394 = arith.constant 32 : index
        %swap3A_395 = tpu.vector_load %arg6[%swap3A_392, %swap3A_393, %swap3A_394] {strides = array<i32>} : memref<2x512x64xf32, #tpu.memory_space<vmem>>, vector<1x1x16xf32>,
        %swap3A_396 = vector.shape_cast %swap3A_395 : vector<1x1x16xf32> to vector<16xf32>
        %swap3A_397 = vector.shape_cast %mul3A_390 : vector<16xf32> to vector<1x1x16xf32>
        tpu.vector_store %arg6[%swap3A_392, %swap3A_393, %swap3A_394], %swap3A_397 {strides = array<i32>} : memref<2x512x64xf32, #tpu.memory_space<vmem>>, vector<1x1x16xf32>,
        %get3A_398 = arith.constant 0 : i32
        %get3A_399 = arith.index_cast %get3A_398 : i32 to index
        %get3A_400 = arith.index_cast %scan3A_349 : i32 to index
        %get3A_401 = arith.constant 48 : index
        %get3A_402 = tpu.vector_load %arg6[%get3A_399, %get3A_400, %get3A_401] {strides = array<i32>} : memref<2x512x64xf32, #tpu.memory_space<vmem>>, vector<1x1x16xf32>,
        %get3A_403 = vector.shape_cast %get3A_402 : vector<1x1x16xf32> to vector<16xf32>
        %mul3A_404 = arith.constant 8.000000e+00 : f32
        %mul3A_405 = vector.broadcast %mul3A_404 : f32 to vector<16xf32>
        %mul3A_406 = arith.mulf %get3A_403, %mul3A_405 : vector<16xf32>
        %swap3A_407 = arith.constant 0 : i32
        %swap3A_408 = arith.index_cast %swap3A_407 : i32 to index
        %swap3A_409 = arith.index_cast %scan3A_349 : i32 to index
        %swap3A_410 = arith.constant 48 : index
        %swap3A_411 = tpu.vector_load %arg6[%swap3A_408, %swap3A_409, %swap3A_410] {strides = array<i32>} : memref<2x512x64xf32, #tpu.memory_space<vmem>>, vector<1x1x16xf32>,
        %swap3A_412 = vector.shape_cast %swap3A_411 : vector<1x1x16xf32> to vector<16xf32>
        %swap3A_413 = vector.shape_cast %mul3A_406 : vector<16xf32> to vector<1x1x16xf32>
        tpu.vector_store %arg6[%swap3A_408, %swap3A_409, %swap3A_410], %swap3A_413 {strides = array<i32>} : memref<2x512x64xf32, #tpu.memory_space<vmem>>, vector<1x1x16xf32>,
        %scan3A_414 = arith.constant 4 : i32
        %scan3A_415 = arith.addi %scan3A_153, %scan3A_414 : i32
        %get3A_416 = arith.constant 0 : i32
        %get3A_417 = arith.index_cast %get3A_416 : i32 to index
        %get3A_418 = arith.index_cast %scan3A_415 : i32 to index
        %get3A_419 = arith.constant 0 : index
        %get3A_420 = tpu.vector_load %arg6[%get3A_417, %get3A_418, %get3A_419] {strides = array<i32>} : memref<2x512x64xf32, #tpu.memory_space<vmem>>, vector<1x1x16xf32>,
        %get3A_421 = vector.shape_cast %get3A_420 : vector<1x1x16xf32> to vector<16xf32>
        %mul3A_422 = arith.constant 8.000000e+00 : f32
        %mul3A_423 = vector.broadcast %mul3A_422 : f32 to vector<16xf32>
        %mul3A_424 = arith.mulf %get3A_421, %mul3A_423 : vector<16xf32>
        %swap3A_425 = arith.constant 0 : i32
        %swap3A_426 = arith.index_cast %swap3A_425 : i32 to index
        %swap3A_427 = arith.index_cast %scan3A_415 : i32 to index
        %swap3A_428 = arith.constant 0 : index
        %swap3A_429 = tpu.vector_load %arg6[%swap3A_426, %swap3A_427, %swap3A_428] {strides = array<i32>} : memref<2x512x64xf32, #tpu.memory_space<vmem>>, vector<1x1x16xf32>,
        %swap3A_430 = vector.shape_cast %swap3A_429 : vector<1x1x16xf32> to vector<16xf32>
        %swap3A_431 = vector.shape_cast %mul3A_424 : vector<16xf32> to vector<1x1x16xf32>
        tpu.vector_store %arg6[%swap3A_426, %swap3A_427, %swap3A_428], %swap3A_431 {strides = array<i32>} : memref<2x512x64xf32, #tpu.memory_space<vmem>>, vector<1x1x16xf32>,
        %get3A_432 = arith.constant 0 : i32
        %get3A_433 = arith.index_cast %get3A_432 : i32 to index
        %get3A_434 = arith.index_cast %scan3A_415 : i32 to index
        %get3A_435 = arith.constant 16 : index
        %get3A_436 = tpu.vector_load %arg6[%get3A_433, %get3A_434, %get3A_435] {strides = array<i32>} : memref<2x512x64xf32, #tpu.memory_space<vmem>>, vector<1x1x16xf32>,
        %get3A_437 = vector.shape_cast %get3A_436 : vector<1x1x16xf32> to vector<16xf32>
        %mul3A_438 = arith.constant 8.000000e+00 : f32
        %mul3A_439 = vector.broadcast %mul3A_438 : f32 to vector<16xf32>
        %mul3A_440 = arith.mulf %get3A_437, %mul3A_439 : vector<16xf32>
        %swap3A_441 = arith.constant 0 : i32
        %swap3A_442 = arith.index_cast %swap3A_441 : i32 to index
        %swap3A_443 = arith.index_cast %scan3A_415 : i32 to index
        %swap3A_444 = arith.constant 16 : index
        %swap3A_445 = tpu.vector_load %arg6[%swap3A_442, %swap3A_443, %swap3A_444] {strides = array<i32>} : memref<2x512x64xf32, #tpu.memory_space<vmem>>, vector<1x1x16xf32>,
        %swap3A_446 = vector.shape_cast %swap3A_445 : vector<1x1x16xf32> to vector<16xf32>
        %swap3A_447 = vector.shape_cast %mul3A_440 : vector<16xf32> to vector<1x1x16xf32>
        tpu.vector_store %arg6[%swap3A_442, %swap3A_443, %swap3A_444], %swap3A_447 {strides = array<i32>} : memref<2x512x64xf32, #tpu.memory_space<vmem>>, vector<1x1x16xf32>,
        %get3A_448 = arith.constant 0 : i32
        %get3A_449 = arith.index_cast %get3A_448 : i32 to index
        %get3A_450 = arith.index_cast %scan3A_415 : i32 to index
        %get3A_451 = arith.constant 32 : index
        %get3A_452 = tpu.vector_load %arg6[%get3A_449, %get3A_450, %get3A_451] {strides = array<i32>} : memref<2x512x64xf32, #tpu.memory_space<vmem>>, vector<1x1x16xf32>,
        %get3A_453 = vector.shape_cast %get3A_452 : vector<1x1x16xf32> to vector<16xf32>
        %mul3A_454 = arith.constant 8.000000e+00 : f32
        %mul3A_455 = vector.broadcast %mul3A_454 : f32 to vector<16xf32>
        %mul3A_456 = arith.mulf %get3A_453, %mul3A_455 : vector<16xf32>
        %swap3A_457 = arith.constant 0 : i32
        %swap3A_458 = arith.index_cast %swap3A_457 : i32 to index
        %swap3A_459 = arith.index_cast %scan3A_415 : i32 to index
        %swap3A_460 = arith.constant 32 : index
        %swap3A_461 = tpu.vector_load %arg6[%swap3A_458, %swap3A_459, %swap3A_460] {strides = array<i32>} : memref<2x512x64xf32, #tpu.memory_space<vmem>>, vector<1x1x16xf32>,
        %swap3A_462 = vector.shape_cast %swap3A_461 : vector<1x1x16xf32> to vector<16xf32>
        %swap3A_463 = vector.shape_cast %mul3A_456 : vector<16xf32> to vector<1x1x16xf32>
        tpu.vector_store %arg6[%swap3A_458, %swap3A_459, %swap3A_460], %swap3A_463 {strides = array<i32>} : memref<2x512x64xf32, #tpu.memory_space<vmem>>, vector<1x1x16xf32>,
        %get3A_464 = arith.constant 0 : i32
        %get3A_465 = arith.index_cast %get3A_464 : i32 to index
        %get3A_466 = arith.index_cast %scan3A_415 : i32 to index
        %get3A_467 = arith.constant 48 : index
        %get3A_468 = tpu.vector_load %arg6[%get3A_465, %get3A_466, %get3A_467] {strides = array<i32>} : memref<2x512x64xf32, #tpu.memory_space<vmem>>, vector<1x1x16xf32>,
        %get3A_469 = vector.shape_cast %get3A_468 : vector<1x1x16xf32> to vector<16xf32>
        %mul3A_470 = arith.constant 8.000000e+00 : f32
        %mul3A_471 = vector.broadcast %mul3A_470 : f32 to vector<16xf32>
        %mul3A_472 = arith.mulf %get3A_469, %mul3A_471 : vector<16xf32>
        %swap3A_473 = arith.constant 0 : i32
        %swap3A_474 = arith.index_cast %swap3A_473 : i32 to index
        %swap3A_475 = arith.index_cast %scan3A_415 : i32 to index
        %swap3A_476 = arith.constant 48 : index
        %swap3A_477 = tpu.vector_load %arg6[%swap3A_474, %swap3A_475, %swap3A_476] {strides = array<i32>} : memref<2x512x64xf32, #tpu.memory_space<vmem>>, vector<1x1x16xf32>,
        %swap3A_478 = vector.shape_cast %swap3A_477 : vector<1x1x16xf32> to vector<16xf32>
        %swap3A_479 = vector.shape_cast %mul3A_472 : vector<16xf32> to vector<1x1x16xf32>
        tpu.vector_store %arg6[%swap3A_474, %swap3A_475, %swap3A_476], %swap3A_479 {strides = array<i32>} : memref<2x512x64xf32, #tpu.memory_space<vmem>>, vector<1x1x16xf32>,
        %scan3A_480 = arith.constant 5 : i32
        %scan3A_481 = arith.addi %scan3A_153, %scan3A_480 : i32
        %get3A_482 = arith.constant 0 : i32
        %get3A_483 = arith.index_cast %get3A_482 : i32 to index
        %get3A_484 = arith.index_cast %scan3A_481 : i32 to index
        %get3A_485 = arith.constant 0 : index
        %get3A_486 = tpu.vector_load %arg6[%get3A_483, %get3A_484, %get3A_485] {strides = array<i32>} : memref<2x512x64xf32, #tpu.memory_space<vmem>>, vector<1x1x16xf32>,
        %get3A_487 = vector.shape_cast %get3A_486 : vector<1x1x16xf32> to vector<16xf32>
        %mul3A_488 = arith.constant 8.000000e+00 : f32
        %mul3A_489 = vector.broadcast %mul3A_488 : f32 to vector<16xf32>
        %mul3A_490 = arith.mulf %get3A_487, %mul3A_489 : vector<16xf32>
        %swap3A_491 = arith.constant 0 : i32
        %swap3A_492 = arith.index_cast %swap3A_491 : i32 to index
        %swap3A_493 = arith.index_cast %scan3A_481 : i32 to index
        %swap3A_494 = arith.constant 0 : index
        %swap3A_495 = tpu.vector_load %arg6[%swap3A_492, %swap3A_493, %swap3A_494] {strides = array<i32>} : memref<2x512x64xf32, #tpu.memory_space<vmem>>, vector<1x1x16xf32>,
        %swap3A_496 = vector.shape_cast %swap3A_495 : vector<1x1x16xf32> to vector<16xf32>
        %swap3A_497 = vector.shape_cast %mul3A_490 : vector<16xf32> to vector<1x1x16xf32>
        tpu.vector_store %arg6[%swap3A_492, %swap3A_493, %swap3A_494], %swap3A_497 {strides = array<i32>} : memref<2x512x64xf32, #tpu.memory_space<vmem>>, vector<1x1x16xf32>,
        %get3A_498 = arith.constant 0 : i32
        %get3A_499 = arith.index_cast %get3A_498 : i32 to index
        %get3A_500 = arith.index_cast %scan3A_481 : i32 to index
        %get3A_501 = arith.constant 16 : index
        %get3A_502 = tpu.vector_load %arg6[%get3A_499, %get3A_500, %get3A_501] {strides = array<i32>} : memref<2x512x64xf32, #tpu.memory_space<vmem>>, vector<1x1x16xf32>,
        %get3A_503 = vector.shape_cast %get3A_502 : vector<1x1x16xf32> to vector<16xf32>
        %mul3A_504 = arith.constant 8.000000e+00 : f32
        %mul3A_505 = vector.broadcast %mul3A_504 : f32 to vector<16xf32>
        %mul3A_506 = arith.mulf %get3A_503, %mul3A_505 : vector<16xf32>
        %swap3A_507 = arith.constant 0 : i32
        %swap3A_508 = arith.index_cast %swap3A_507 : i32 to index
        %swap3A_509 = arith.index_cast %scan3A_481 : i32 to index
        %swap3A_510 = arith.constant 16 : index
        %swap3A_511 = tpu.vector_load %arg6[%swap3A_508, %swap3A_509, %swap3A_510] {strides = array<i32>} : memref<2x512x64xf32, #tpu.memory_space<vmem>>, vector<1x1x16xf32>,
        %swap3A_512 = vector.shape_cast %swap3A_511 : vector<1x1x16xf32> to vector<16xf32>
        %swap3A_513 = vector.shape_cast %mul3A_506 : vector<16xf32> to vector<1x1x16xf32>
        tpu.vector_store %arg6[%swap3A_508, %swap3A_509, %swap3A_510], %swap3A_513 {strides = array<i32>} : memref<2x512x64xf32, #tpu.memory_space<vmem>>, vector<1x1x16xf32>,
        %get3A_514 = arith.constant 0 : i32
        %get3A_515 = arith.index_cast %get3A_514 : i32 to index
        %get3A_516 = arith.index_cast %scan3A_481 : i32 to index
        %get3A_517 = arith.constant 32 : index
        %get3A_518 = tpu.vector_load %arg6[%get3A_515, %get3A_516, %get3A_517] {strides = array<i32>} : memref<2x512x64xf32, #tpu.memory_space<vmem>>, vector<1x1x16xf32>,
        %get3A_519 = vector.shape_cast %get3A_518 : vector<1x1x16xf32> to vector<16xf32>
        %mul3A_520 = arith.constant 8.000000e+00 : f32
        %mul3A_521 = vector.broadcast %mul3A_520 : f32 to vector<16xf32>
        %mul3A_522 = arith.mulf %get3A_519, %mul3A_521 : vector<16xf32>
        %swap3A_523 = arith.constant 0 : i32
        %swap3A_524 = arith.index_cast %swap3A_523 : i32 to index
        %swap3A_525 = arith.index_cast %scan3A_481 : i32 to index
        %swap3A_526 = arith.constant 32 : index
        %swap3A_527 = tpu.vector_load %arg6[%swap3A_524, %swap3A_525, %swap3A_526] {strides = array<i32>} : memref<2x512x64xf32, #tpu.memory_space<vmem>>, vector<1x1x16xf32>,
        %swap3A_528 = vector.shape_cast %swap3A_527 : vector<1x1x16xf32> to vector<16xf32>
        %swap3A_529 = vector.shape_cast %mul3A_522 : vector<16xf32> to vector<1x1x16xf32>
        tpu.vector_store %arg6[%swap3A_524, %swap3A_525, %swap3A_526], %swap3A_529 {strides = array<i32>} : memref<2x512x64xf32, #tpu.memory_space<vmem>>, vector<1x1x16xf32>,
        %get3A_530 = arith.constant 0 : i32
        %get3A_531 = arith.index_cast %get3A_530 : i32 to index
        %get3A_532 = arith.index_cast %scan3A_481 : i32 to index
        %get3A_533 = arith.constant 48 : index
        %get3A_534 = tpu.vector_load %arg6[%get3A_531, %get3A_532, %get3A_533] {strides = array<i32>} : memref<2x512x64xf32, #tpu.memory_space<vmem>>, vector<1x1x16xf32>,
        %get3A_535 = vector.shape_cast %get3A_534 : vector<1x1x16xf32> to vector<16xf32>
        %mul3A_536 = arith.constant 8.000000e+00 : f32
        %mul3A_537 = vector.broadcast %mul3A_536 : f32 to vector<16xf32>
        %mul3A_538 = arith.mulf %get3A_535, %mul3A_537 : vector<16xf32>
        %swap3A_539 = arith.constant 0 : i32
        %swap3A_540 = arith.index_cast %swap3A_539 : i32 to index
        %swap3A_541 = arith.index_cast %scan3A_481 : i32 to index
        %swap3A_542 = arith.constant 48 : index
        %swap3A_543 = tpu.vector_load %arg6[%swap3A_540, %swap3A_541, %swap3A_542] {strides = array<i32>} : memref<2x512x64xf32, #tpu.memory_space<vmem>>, vector<1x1x16xf32>,
        %swap3A_544 = vector.shape_cast %swap3A_543 : vector<1x1x16xf32> to vector<16xf32>
        %swap3A_545 = vector.shape_cast %mul3A_538 : vector<16xf32> to vector<1x1x16xf32>
        tpu.vector_store %arg6[%swap3A_540, %swap3A_541, %swap3A_542], %swap3A_545 {strides = array<i32>} : memref<2x512x64xf32, #tpu.memory_space<vmem>>, vector<1x1x16xf32>,
        %scan3A_546 = arith.constant 6 : i32
        %scan3A_547 = arith.addi %scan3A_153, %scan3A_546 : i32
        %get3A_548 = arith.constant 0 : i32
        %get3A_549 = arith.index_cast %get3A_548 : i32 to index
        %get3A_550 = arith.index_cast %scan3A_547 : i32 to index
        %get3A_551 = arith.constant 0 : index
        %get3A_552 = tpu.vector_load %arg6[%get3A_549, %get3A_550, %get3A_551] {strides = array<i32>} : memref<2x512x64xf32, #tpu.memory_space<vmem>>, vector<1x1x16xf32>,
        %get3A_553 = vector.shape_cast %get3A_552 : vector<1x1x16xf32> to vector<16xf32>
        %mul3A_554 = arith.constant 8.000000e+00 : f32
        %mul3A_555 = vector.broadcast %mul3A_554 : f32 to vector<16xf32>
        %mul3A_556 = arith.mulf %get3A_553, %mul3A_555 : vector<16xf32>
        %swap3A_557 = arith.constant 0 : i32
        %swap3A_558 = arith.index_cast %swap3A_557 : i32 to index
        %swap3A_559 = arith.index_cast %scan3A_547 : i32 to index
        %swap3A_560 = arith.constant 0 : index
        %swap3A_561 = tpu.vector_load %arg6[%swap3A_558, %swap3A_559, %swap3A_560] {strides = array<i32>} : memref<2x512x64xf32, #tpu.memory_space<vmem>>, vector<1x1x16xf32>,
        %swap3A_562 = vector.shape_cast %swap3A_561 : vector<1x1x16xf32> to vector<16xf32>
        %swap3A_563 = vector.shape_cast %mul3A_556 : vector<16xf32> to vector<1x1x16xf32>
        tpu.vector_store %arg6[%swap3A_558, %swap3A_559, %swap3A_560], %swap3A_563 {strides = array<i32>} : memref<2x512x64xf32, #tpu.memory_space<vmem>>, vector<1x1x16xf32>,
        %get3A_564 = arith.constant 0 : i32
        %get3A_565 = arith.index_cast %get3A_564 : i32 to index
        %get3A_566 = arith.index_cast %scan3A_547 : i32 to index
        %get3A_567 = arith.constant 16 : index
        %get3A_568 = tpu.vector_load %arg6[%get3A_565, %get3A_566, %get3A_567] {strides = array<i32>} : memref<2x512x64xf32, #tpu.memory_space<vmem>>, vector<1x1x16xf32>,
        %get3A_569 = vector.shape_cast %get3A_568 : vector<1x1x16xf32> to vector<16xf32>
        %mul3A_570 = arith.constant 8.000000e+00 : f32
        %mul3A_571 = vector.broadcast %mul3A_570 : f32 to vector<16xf32>
        %mul3A_572 = arith.mulf %get3A_569, %mul3A_571 : vector<16xf32>
        %swap3A_573 = arith.constant 0 : i32
        %swap3A_574 = arith.index_cast %swap3A_573 : i32 to index
        %swap3A_575 = arith.index_cast %scan3A_547 : i32 to index
        %swap3A_576 = arith.constant 16 : index
        %swap3A_577 = tpu.vector_load %arg6[%swap3A_574, %swap3A_575, %swap3A_576] {strides = array<i32>} : memref<2x512x64xf32, #tpu.memory_space<vmem>>, vector<1x1x16xf32>,
        %swap3A_578 = vector.shape_cast %swap3A_577 : vector<1x1x16xf32> to vector<16xf32>
        %swap3A_579 = vector.shape_cast %mul3A_572 : vector<16xf32> to vector<1x1x16xf32>
        tpu.vector_store %arg6[%swap3A_574, %swap3A_575, %swap3A_576], %swap3A_579 {strides = array<i32>} : memref<2x512x64xf32, #tpu.memory_space<vmem>>, vector<1x1x16xf32>,
        %get3A_580 = arith.constant 0 : i32
        %get3A_581 = arith.index_cast %get3A_580 : i32 to index
        %get3A_582 = arith.index_cast %scan3A_547 : i32 to index
        %get3A_583 = arith.constant 32 : index
        %get3A_584 = tpu.vector_load %arg6[%get3A_581, %get3A_582, %get3A_583] {strides = array<i32>} : memref<2x512x64xf32, #tpu.memory_space<vmem>>, vector<1x1x16xf32>,
        %get3A_585 = vector.shape_cast %get3A_584 : vector<1x1x16xf32> to vector<16xf32>
        %mul3A_586 = arith.constant 8.000000e+00 : f32
        %mul3A_587 = vector.broadcast %mul3A_586 : f32 to vector<16xf32>
        %mul3A_588 = arith.mulf %get3A_585, %mul3A_587 : vector<16xf32>
        %swap3A_589 = arith.constant 0 : i32
        %swap3A_590 = arith.index_cast %swap3A_589 : i32 to index
        %swap3A_591 = arith.index_cast %scan3A_547 : i32 to index
        %swap3A_592 = arith.constant 32 : index
        %swap3A_593 = tpu.vector_load %arg6[%swap3A_590, %swap3A_591, %swap3A_592] {strides = array<i32>} : memref<2x512x64xf32, #tpu.memory_space<vmem>>, vector<1x1x16xf32>,
        %swap3A_594 = vector.shape_cast %swap3A_593 : vector<1x1x16xf32> to vector<16xf32>
        %swap3A_595 = vector.shape_cast %mul3A_588 : vector<16xf32> to vector<1x1x16xf32>
        tpu.vector_store %arg6[%swap3A_590, %swap3A_591, %swap3A_592], %swap3A_595 {strides = array<i32>} : memref<2x512x64xf32, #tpu.memory_space<vmem>>, vector<1x1x16xf32>,
        %get3A_596 = arith.constant 0 : i32
        %get3A_597 = arith.index_cast %get3A_596 : i32 to index
        %get3A_598 = arith.index_cast %scan3A_547 : i32 to index
        %get3A_599 = arith.constant 48 : index
        %get3A_600 = tpu.vector_load %arg6[%get3A_597, %get3A_598, %get3A_599] {strides = array<i32>} : memref<2x512x64xf32, #tpu.memory_space<vmem>>, vector<1x1x16xf32>,
        %get3A_601 = vector.shape_cast %get3A_600 : vector<1x1x16xf32> to vector<16xf32>
        %mul3A_602 = arith.constant 8.000000e+00 : f32
        %mul3A_603 = vector.broadcast %mul3A_602 : f32 to vector<16xf32>
        %mul3A_604 = arith.mulf %get3A_601, %mul3A_603 : vector<16xf32>
        %swap3A_605 = arith.constant 0 : i32
        %swap3A_606 = arith.index_cast %swap3A_605 : i32 to index
        %swap3A_607 = arith.index_cast %scan3A_547 : i32 to index
        %swap3A_608 = arith.constant 48 : index
        %swap3A_609 = tpu.vector_load %arg6[%swap3A_606, %swap3A_607, %swap3A_608] {strides = array<i32>} : memref<2x512x64xf32, #tpu.memory_space<vmem>>, vector<1x1x16xf32>,
        %swap3A_610 = vector.shape_cast %swap3A_609 : vector<1x1x16xf32> to vector<16xf32>
        %swap3A_611 = vector.shape_cast %mul3A_604 : vector<16xf32> to vector<1x1x16xf32>
        tpu.vector_store %arg6[%swap3A_606, %swap3A_607, %swap3A_608], %swap3A_611 {strides = array<i32>} : memref<2x512x64xf32, #tpu.memory_space<vmem>>, vector<1x1x16xf32>,
        %scan3A_612 = arith.constant 7 : i32
        %scan3A_613 = arith.addi %scan3A_153, %scan3A_612 : i32
        %get3A_614 = arith.constant 0 : i32
        %get3A_615 = arith.index_cast %get3A_614 : i32 to index
        %get3A_616 = arith.index_cast %scan3A_613 : i32 to index
        %get3A_617 = arith.constant 0 : index
        %get3A_618 = tpu.vector_load %arg6[%get3A_615, %get3A_616, %get3A_617] {strides = array<i32>} : memref<2x512x64xf32, #tpu.memory_space<vmem>>, vector<1x1x16xf32>,
        %get3A_619 = vector.shape_cast %get3A_618 : vector<1x1x16xf32> to vector<16xf32>
        %mul3A_620 = arith.constant 8.000000e+00 : f32
        %mul3A_621 = vector.broadcast %mul3A_620 : f32 to vector<16xf32>
        %mul3A_622 = arith.mulf %get3A_619, %mul3A_621 : vector<16xf32>
        %swap3A_623 = arith.constant 0 : i32
        %swap3A_624 = arith.index_cast %swap3A_623 : i32 to index
        %swap3A_625 = arith.index_cast %scan3A_613 : i32 to index
        %swap3A_626 = arith.constant 0 : index
        %swap3A_627 = tpu.vector_load %arg6[%swap3A_624, %swap3A_625, %swap3A_626] {strides = array<i32>} : memref<2x512x64xf32, #tpu.memory_space<vmem>>, vector<1x1x16xf32>,
        %swap3A_628 = vector.shape_cast %swap3A_627 : vector<1x1x16xf32> to vector<16xf32>
        %swap3A_629 = vector.shape_cast %mul3A_622 : vector<16xf32> to vector<1x1x16xf32>
        tpu.vector_store %arg6[%swap3A_624, %swap3A_625, %swap3A_626], %swap3A_629 {strides = array<i32>} : memref<2x512x64xf32, #tpu.memory_space<vmem>>, vector<1x1x16xf32>,
        %get3A_630 = arith.constant 0 : i32
        %get3A_631 = arith.index_cast %get3A_630 : i32 to index
        %get3A_632 = arith.index_cast %scan3A_613 : i32 to index
        %get3A_633 = arith.constant 16 : index
        %get3A_634 = tpu.vector_load %arg6[%get3A_631, %get3A_632, %get3A_633] {strides = array<i32>} : memref<2x512x64xf32, #tpu.memory_space<vmem>>, vector<1x1x16xf32>,
        %get3A_635 = vector.shape_cast %get3A_634 : vector<1x1x16xf32> to vector<16xf32>
        %mul3A_636 = arith.constant 8.000000e+00 : f32
        %mul3A_637 = vector.broadcast %mul3A_636 : f32 to vector<16xf32>
        %mul3A_638 = arith.mulf %get3A_635, %mul3A_637 : vector<16xf32>
        %swap3A_639 = arith.constant 0 : i32
        %swap3A_640 = arith.index_cast %swap3A_639 : i32 to index
        %swap3A_641 = arith.index_cast %scan3A_613 : i32 to index
        %swap3A_642 = arith.constant 16 : index
        %swap3A_643 = tpu.vector_load %arg6[%swap3A_640, %swap3A_641, %swap3A_642] {strides = array<i32>} : memref<2x512x64xf32, #tpu.memory_space<vmem>>, vector<1x1x16xf32>,
        %swap3A_644 = vector.shape_cast %swap3A_643 : vector<1x1x16xf32> to vector<16xf32>
        %swap3A_645 = vector.shape_cast %mul3A_638 : vector<16xf32> to vector<1x1x16xf32>
        tpu.vector_store %arg6[%swap3A_640, %swap3A_641, %swap3A_642], %swap3A_645 {strides = array<i32>} : memref<2x512x64xf32, #tpu.memory_space<vmem>>, vector<1x1x16xf32>,
        %get3A_646 = arith.constant 0 : i32
        %get3A_647 = arith.index_cast %get3A_646 : i32 to index
        %get3A_648 = arith.index_cast %scan3A_613 : i32 to index
        %get3A_649 = arith.constant 32 : index
        %get3A_650 = tpu.vector_load %arg6[%get3A_647, %get3A_648, %get3A_649] {strides = array<i32>} : memref<2x512x64xf32, #tpu.memory_space<vmem>>, vector<1x1x16xf32>,
        %get3A_651 = vector.shape_cast %get3A_650 : vector<1x1x16xf32> to vector<16xf32>
        %mul3A_652 = arith.constant 8.000000e+00 : f32
        %mul3A_653 = vector.broadcast %mul3A_652 : f32 to vector<16xf32>
        %mul3A_654 = arith.mulf %get3A_651, %mul3A_653 : vector<16xf32>
        %swap3A_655 = arith.constant 0 : i32
        %swap3A_656 = arith.index_cast %swap3A_655 : i32 to index
        %swap3A_657 = arith.index_cast %scan3A_613 : i32 to index
        %swap3A_658 = arith.constant 32 : index
        %swap3A_659 = tpu.vector_load %arg6[%swap3A_656, %swap3A_657, %swap3A_658] {strides = array<i32>} : memref<2x512x64xf32, #tpu.memory_space<vmem>>, vector<1x1x16xf32>,
        %swap3A_660 = vector.shape_cast %swap3A_659 : vector<1x1x16xf32> to vector<16xf32>
        %swap3A_661 = vector.shape_cast %mul3A_654 : vector<16xf32> to vector<1x1x16xf32>
        tpu.vector_store %arg6[%swap3A_656, %swap3A_657, %swap3A_658], %swap3A_661 {strides = array<i32>} : memref<2x512x64xf32, #tpu.memory_space<vmem>>, vector<1x1x16xf32>,
        %get3A_662 = arith.constant 0 : i32
        %get3A_663 = arith.index_cast %get3A_662 : i32 to index
        %get3A_664 = arith.index_cast %scan3A_613 : i32 to index
        %get3A_665 = arith.constant 48 : index
        %get3A_666 = tpu.vector_load %arg6[%get3A_663, %get3A_664, %get3A_665] {strides = array<i32>} : memref<2x512x64xf32, #tpu.memory_space<vmem>>, vector<1x1x16xf32>,
        %get3A_667 = vector.shape_cast %get3A_666 : vector<1x1x16xf32> to vector<16xf32>
        %mul3A_668 = arith.constant 8.000000e+00 : f32
        %mul3A_669 = vector.broadcast %mul3A_668 : f32 to vector<16xf32>
        %mul3A_670 = arith.mulf %get3A_667, %mul3A_669 : vector<16xf32>
        %swap3A_671 = arith.constant 0 : i32
        %swap3A_672 = arith.index_cast %swap3A_671 : i32 to index
        %swap3A_673 = arith.index_cast %scan3A_613 : i32 to index
        %swap3A_674 = arith.constant 48 : index
        %swap3A_675 = tpu.vector_load %arg6[%swap3A_672, %swap3A_673, %swap3A_674] {strides = array<i32>} : memref<2x512x64xf32, #tpu.memory_space<vmem>>, vector<1x1x16xf32>,
        %swap3A_676 = vector.shape_cast %swap3A_675 : vector<1x1x16xf32> to vector<16xf32>
        %swap3A_677 = vector.shape_cast %mul3A_670 : vector<16xf32> to vector<1x1x16xf32>
        tpu.vector_store %arg6[%swap3A_672, %swap3A_673, %swap3A_674], %swap3A_677 {strides = array<i32>} : memref<2x512x64xf32, #tpu.memory_space<vmem>>, vector<1x1x16xf32>,
      }
      %scan3A_83 = arith.constant 512 : i32
      %mul3A_84 = arith.constant 512 : i32
      %mul3A_85 = arith.muli %add3A_59, %mul3A_84 : i32
      %add3A_86 = arith.addi %mul3A_2, %mul3A_85 : i32
      %dma_start3A_87 = arith.constant 0 : i32
      %dma_start3A_88 = arith.constant 0 : i32
      %dma_start3A_89 = arith.constant 0 : i32
      %dma_start3A_90 = arith.constant 0 : i32
      %dma_start3A_91 = tpu.memref_slice %arg6[%dma_start3A_87, %dma_start3A_89, %dma_start3A_90] : memref<2x512x64xf32, #tpu.memory_space<vmem>> -> memref<1x512x64xf32, #tpu.memory_space<vmem>>
      %dma_start3A_92 = tpu.memref_squeeze %dma_start3A_91 : memref<1x512x64xf32, #tpu.memory_space<vmem>> -> memref<512x64xf32, #tpu.memory_space<vmem>>
      %dma_start3A_93 = arith.constant 0 : i32
      %dma_start3A_94 = tpu.memref_slice %arg4[%add3A_86, %dma_start3A_93] : memref<819200x64xf32, #tpu.memory_space<hbm>> -> memref<512x64xf32, #tpu.memory_space<hbm>>
      %dma_start3A_95 = tpu.memref_slice %arg8[%dma_start3A_88] : memref<2x!tpu.dma_semaphore, #tpu.memory_space<semaphore_mem>> -> memref<1x!tpu.dma_semaphore, #tpu.memory_space<semaphore_mem>>
      %dma_start3A_96 = tpu.memref_squeeze %dma_start3A_95 : memref<1x!tpu.dma_semaphore, #tpu.memory_space<semaphore_mem>> -> memref<!tpu.dma_semaphore, #tpu.memory_space<semaphore_mem>>
      %dma_start3A_97 = arith.constant 0 : i32
      %dma_start3A_98 = tpu.memref_slice %arg4[%add3A_86, %dma_start3A_97] : memref<819200x64xf32, #tpu.memory_space<hbm>> -> memref<512x64xf32, #tpu.memory_space<hbm>>
      %dma_start3A_99 = arith.constant 0 : i32
      %dma_start3A_100 = arith.constant 0 : i32
      %dma_start3A_101 = tpu.memref_slice %arg6[%dma_start3A_87, %dma_start3A_99, %dma_start3A_100] : memref<2x512x64xf32, #tpu.memory_space<vmem>> -> memref<1x512x64xf32, #tpu.memory_space<vmem>>
      %dma_start3A_102 = tpu.memref_squeeze %dma_start3A_101 : memref<1x512x64xf32, #tpu.memory_space<vmem>> -> memref<512x64xf32, #tpu.memory_space<vmem>>
      tpu.enqueue_dma source(%dma_start3A_102 : memref<512x64xf32, #tpu.memory_space<vmem>>) target(%dma_start3A_98 : memref<512x64xf32, #tpu.memory_space<hbm>>) target_semaphore(%dma_start3A_96 : memref<!tpu.dma_semaphore, #tpu.memory_space<semaphore_mem>>)
      %mul3A_103 = arith.constant 2 : i32
      %mul3A_104 = arith.muli %mul3A_103, %scan3A_55 : i32
      %add3A_105 = arith.constant 1 : i32
      %add3A_106 = arith.addi %mul3A_104, %add3A_105 : i32
      %add3A_107 = arith.constant 1 : i32
      %add3A_108 = arith.addi %add3A_106, %add3A_107 : i32
      %lt3A_109 = arith.constant 50 : i32
      %lt3A_110 = arith.cmpi slt, %add3A_108, %lt3A_109 : i32
      %convert_element_type3A_111 = arith.extui %lt3A_110 : i1 to i32
      %cond3A_112 = arith.constant 0 : i32
      %cond3A_113 = arith.cmpi ne, %convert_element_type3A_111, %cond3A_112 : i32
      scf.if %cond3A_113 {
        %ge3A = arith.constant 1 : i32
        %ge3A_153 = arith.cmpi sge, %add3A_106, %ge3A : i32
        %convert_element_type3A_154 = arith.extui %ge3A_153 : i1 to i32
        %cond3A_155 = arith.constant 0 : i32
        %cond3A_156 = arith.cmpi ne, %convert_element_type3A_154, %cond3A_155 : i32
        scf.if %cond3A_156 {
          %sub3A = arith.constant 1 : i32
          %sub3A_173 = arith.subi %add3A_106, %sub3A : i32
          %mul3A_174 = arith.constant 512 : i32
          %mul3A_175 = arith.muli %sub3A_173, %mul3A_174 : i32
          %add3A_176 = arith.addi %mul3A_2, %mul3A_175 : i32
          %dma_wait3A_177 = arith.constant 0 : i32
          %dma_wait3A_178 = arith.constant 0 : i32
          %dma_wait3A_179 = arith.constant 0 : i32
          %dma_wait3A_180 = arith.constant 0 : i32
          %dma_wait3A_181 = tpu.memref_slice %arg6[%dma_wait3A_177, %dma_wait3A_179, %dma_wait3A_180] : memref<2x512x64xf32, #tpu.memory_space<vmem>> -> memref<1x512x64xf32, #tpu.memory_space<vmem>>
          %dma_wait3A_182 = tpu.memref_squeeze %dma_wait3A_181 : memref<1x512x64xf32, #tpu.memory_space<vmem>> -> memref<512x64xf32, #tpu.memory_space<vmem>>
          %dma_wait3A_183 = arith.constant 0 : i32
          %dma_wait3A_184 = tpu.memref_slice %arg4[%add3A_176, %dma_wait3A_183] : memref<819200x64xf32, #tpu.memory_space<hbm>> -> memref<512x64xf32, #tpu.memory_space<hbm>>
          %dma_wait3A_185 = tpu.memref_slice %arg8[%dma_wait3A_178] : memref<2x!tpu.dma_semaphore, #tpu.memory_space<semaphore_mem>> -> memref<1x!tpu.dma_semaphore, #tpu.memory_space<semaphore_mem>>
          %dma_wait3A_186 = tpu.memref_squeeze %dma_wait3A_185 : memref<1x!tpu.dma_semaphore, #tpu.memory_space<semaphore_mem>> -> memref<!tpu.dma_semaphore, #tpu.memory_space<semaphore_mem>>
          %dma_wait3A_187 = arith.constant 0 : i32
          %dma_wait3A_188 = tpu.memref_slice %arg4[%add3A_176, %dma_wait3A_187] : memref<819200x64xf32, #tpu.memory_space<hbm>> -> memref<512x64xf32, #tpu.memory_space<hbm>>
          %dma_wait3A_189 = arith.constant 0 : i32
          %dma_wait3A_190 = arith.constant 0 : i32
          %dma_wait3A_191 = tpu.memref_slice %arg6[%dma_wait3A_177, %dma_wait3A_189, %dma_wait3A_190] : memref<2x512x64xf32, #tpu.memory_space<vmem>> -> memref<1x512x64xf32, #tpu.memory_space<vmem>>
          %dma_wait3A_192 = tpu.memref_squeeze %dma_wait3A_191 : memref<1x512x64xf32, #tpu.memory_space<vmem>> -> memref<512x64xf32, #tpu.memory_space<vmem>>
          tpu.wait_dma2 semaphore(%dma_wait3A_186 : memref<!tpu.dma_semaphore, #tpu.memory_space<semaphore_mem>>) src(%dma_wait3A_192 : memref<512x64xf32, #tpu.memory_space<vmem>>) dst(%dma_wait3A_188 : memref<512x64xf32, #tpu.memory_space<hbm>>)
        } else {
        }
        %add3A_157 = arith.constant 1 : i32
        %add3A_158 = arith.addi %add3A_106, %add3A_157 : i32
        %mul3A_159 = arith.constant 512 : i32
        %mul3A_160 = arith.muli %add3A_158, %mul3A_159 : i32
        %dma_start3A_161 = arith.constant 0 : i32
        %dma_start3A_162 = arith.constant 0 : i32
        %dma_start3A_163 = arith.constant 0 : i32
        %dma_start3A_164 = arith.constant 0 : i32
        %dma_start3A_165 = tpu.memref_slice %arg6[%dma_start3A_161, %dma_start3A_163, %dma_start3A_164] : memref<2x512x64xf32, #tpu.memory_space<vmem>> -> memref<1x512x64xf32, #tpu.memory_space<vmem>>
        %dma_start3A_166 = tpu.memref_squeeze %dma_start3A_165 : memref<1x512x64xf32, #tpu.memory_space<vmem>> -> memref<512x64xf32, #tpu.memory_space<vmem>>
        %dma_start3A_167 = tpu.memref_slice %arg5[%mul3A_160] : memref<25600xi32, #tpu.memory_space<vmem>> -> memref<512xi32, #tpu.memory_space<vmem>>
        %dma_start3A_168 = arith.constant 0 : i32
        %dma_start3A_169 = arith.constant 0 : i32
        %dma_start3A_170 = tpu.memref_slice %arg3[%dma_start3A_168, %dma_start3A_169] : memref<1000000x64xf32, #tpu.memory_space<hbm>> -> memref<1000000x64xf32, #tpu.memory_space<hbm>>
        %dma_start3A_171 = tpu.memref_slice %arg7[%dma_start3A_162] : memref<2x!tpu.dma_semaphore, #tpu.memory_space<semaphore_mem>> -> memref<1x!tpu.dma_semaphore, #tpu.memory_space<semaphore_mem>>
        %dma_start3A_172 = tpu.memref_squeeze %dma_start3A_171 : memref<1x!tpu.dma_semaphore, #tpu.memory_space<semaphore_mem>> -> memref<!tpu.dma_semaphore, #tpu.memory_space<semaphore_mem>>
        tpu.enqueue_indirect_dma source(%dma_start3A_170 : memref<1000000x64xf32, #tpu.memory_space<hbm>>) target(%dma_start3A_166 : memref<512x64xf32, #tpu.memory_space<vmem>>) offsets(%dma_start3A_167 : memref<512xi32, #tpu.memory_space<vmem>>) semaphore(%dma_start3A_172 : memref<!tpu.dma_semaphore, #tpu.memory_space<semaphore_mem>>)
      } else {
      }
      %mul3A_114 = arith.constant 512 : i32
      %mul3A_115 = arith.muli %add3A_106, %mul3A_114 : i32
      %dma_wait3A_116 = arith.constant 1 : i32
      %dma_wait3A_117 = arith.constant 1 : i32
      %dma_wait3A_118 = arith.constant 0 : i32
      %dma_wait3A_119 = arith.constant 0 : i32
      %dma_wait3A_120 = tpu.memref_slice %arg6[%dma_wait3A_116, %dma_wait3A_118, %dma_wait3A_119] : memref<2x512x64xf32, #tpu.memory_space<vmem>> -> memref<1x512x64xf32, #tpu.memory_space<vmem>>
      %dma_wait3A_121 = tpu.memref_squeeze %dma_wait3A_120 : memref<1x512x64xf32, #tpu.memory_space<vmem>> -> memref<512x64xf32, #tpu.memory_space<vmem>>
      %dma_wait3A_122 = tpu.memref_slice %arg5[%mul3A_115] : memref<25600xi32, #tpu.memory_space<vmem>> -> memref<512xi32, #tpu.memory_space<vmem>>
      %dma_wait3A_123 = arith.constant 0 : i32
      %dma_wait3A_124 = arith.constant 0 : i32
      %dma_wait3A_125 = tpu.memref_slice %arg3[%dma_wait3A_123, %dma_wait3A_124] : memref<1000000x64xf32, #tpu.memory_space<hbm>> -> memref<1000000x64xf32, #tpu.memory_space<hbm>>
      %dma_wait3A_126 = tpu.memref_slice %arg7[%dma_wait3A_117] : memref<2x!tpu.dma_semaphore, #tpu.memory_space<semaphore_mem>> -> memref<1x!tpu.dma_semaphore, #tpu.memory_space<semaphore_mem>>
      %dma_wait3A_127 = tpu.memref_squeeze %dma_wait3A_126 : memref<1x!tpu.dma_semaphore, #tpu.memory_space<semaphore_mem>> -> memref<!tpu.dma_semaphore, #tpu.memory_space<semaphore_mem>>
      tpu.wait_indirect_dma semaphore(%dma_wait3A_127 : memref<!tpu.dma_semaphore, #tpu.memory_space<semaphore_mem>>) src(%dma_wait3A_125 : memref<1000000x64xf32, #tpu.memory_space<hbm>>) dst(%dma_wait3A_121 : memref<512x64xf32, #tpu.memory_space<vmem>>)
      %scan3A_128 = arith.constant 0 : i32
      %scan3A_129 = arith.constant 0 : i32
      %scan3A_130 = arith.constant 512 : i32
      %scan3A_131 = arith.addi %scan3A_129, %scan3A_130 : i32
      %scan3A_132 = arith.constant 8 : i32
      scf.for %scan3A_153 = %scan3A_129 to %scan3A_131 step %scan3A_132  : i32 {
        %get3A = arith.constant 1 : i32
        %get3A_154 = arith.index_cast %get3A : i32 to index
        %get3A_155 = arith.index_cast %scan3A_153 : i32 to index
        %get3A_156 = arith.constant 0 : index
        %get3A_157 = tpu.vector_load %arg6[%get3A_154, %get3A_155, %get3A_156] {strides = array<i32>} : memref<2x512x64xf32, #tpu.memory_space<vmem>>, vector<1x1x16xf32>,
        %get3A_158 = vector.shape_cast %get3A_157 : vector<1x1x16xf32> to vector<16xf32>
        %mul3A_159 = arith.constant 8.000000e+00 : f32
        %mul3A_160 = vector.broadcast %mul3A_159 : f32 to vector<16xf32>
        %mul3A_161 = arith.mulf %get3A_158, %mul3A_160 : vector<16xf32>
        %swap3A = arith.constant 1 : i32
        %swap3A_162 = arith.index_cast %swap3A : i32 to index
        %swap3A_163 = arith.index_cast %scan3A_153 : i32 to index
        %swap3A_164 = arith.constant 0 : index
        %swap3A_165 = tpu.vector_load %arg6[%swap3A_162, %swap3A_163, %swap3A_164] {strides = array<i32>} : memref<2x512x64xf32, #tpu.memory_space<vmem>>, vector<1x1x16xf32>,
        %swap3A_166 = vector.shape_cast %swap3A_165 : vector<1x1x16xf32> to vector<16xf32>
        %swap3A_167 = vector.shape_cast %mul3A_161 : vector<16xf32> to vector<1x1x16xf32>
        tpu.vector_store %arg6[%swap3A_162, %swap3A_163, %swap3A_164], %swap3A_167 {strides = array<i32>} : memref<2x512x64xf32, #tpu.memory_space<vmem>>, vector<1x1x16xf32>,
        %get3A_168 = arith.constant 1 : i32
        %get3A_169 = arith.index_cast %get3A_168 : i32 to index
        %get3A_170 = arith.index_cast %scan3A_153 : i32 to index
        %get3A_171 = arith.constant 16 : index
        %get3A_172 = tpu.vector_load %arg6[%get3A_169, %get3A_170, %get3A_171] {strides = array<i32>} : memref<2x512x64xf32, #tpu.memory_space<vmem>>, vector<1x1x16xf32>,
        %get3A_173 = vector.shape_cast %get3A_172 : vector<1x1x16xf32> to vector<16xf32>
        %mul3A_174 = arith.constant 8.000000e+00 : f32
        %mul3A_175 = vector.broadcast %mul3A_174 : f32 to vector<16xf32>
        %mul3A_176 = arith.mulf %get3A_173, %mul3A_175 : vector<16xf32>
        %swap3A_177 = arith.constant 1 : i32
        %swap3A_178 = arith.index_cast %swap3A_177 : i32 to index
        %swap3A_179 = arith.index_cast %scan3A_153 : i32 to index
        %swap3A_180 = arith.constant 16 : index
        %swap3A_181 = tpu.vector_load %arg6[%swap3A_178, %swap3A_179, %swap3A_180] {strides = array<i32>} : memref<2x512x64xf32, #tpu.memory_space<vmem>>, vector<1x1x16xf32>,
        %swap3A_182 = vector.shape_cast %swap3A_181 : vector<1x1x16xf32> to vector<16xf32>
        %swap3A_183 = vector.shape_cast %mul3A_176 : vector<16xf32> to vector<1x1x16xf32>
        tpu.vector_store %arg6[%swap3A_178, %swap3A_179, %swap3A_180], %swap3A_183 {strides = array<i32>} : memref<2x512x64xf32, #tpu.memory_space<vmem>>, vector<1x1x16xf32>,
        %get3A_184 = arith.constant 1 : i32
        %get3A_185 = arith.index_cast %get3A_184 : i32 to index
        %get3A_186 = arith.index_cast %scan3A_153 : i32 to index
        %get3A_187 = arith.constant 32 : index
        %get3A_188 = tpu.vector_load %arg6[%get3A_185, %get3A_186, %get3A_187] {strides = array<i32>} : memref<2x512x64xf32, #tpu.memory_space<vmem>>, vector<1x1x16xf32>,
        %get3A_189 = vector.shape_cast %get3A_188 : vector<1x1x16xf32> to vector<16xf32>
        %mul3A_190 = arith.constant 8.000000e+00 : f32
        %mul3A_191 = vector.broadcast %mul3A_190 : f32 to vector<16xf32>
        %mul3A_192 = arith.mulf %get3A_189, %mul3A_191 : vector<16xf32>
        %swap3A_193 = arith.constant 1 : i32
        %swap3A_194 = arith.index_cast %swap3A_193 : i32 to index
        %swap3A_195 = arith.index_cast %scan3A_153 : i32 to index
        %swap3A_196 = arith.constant 32 : index
        %swap3A_197 = tpu.vector_load %arg6[%swap3A_194, %swap3A_195, %swap3A_196] {strides = array<i32>} : memref<2x512x64xf32, #tpu.memory_space<vmem>>, vector<1x1x16xf32>,
        %swap3A_198 = vector.shape_cast %swap3A_197 : vector<1x1x16xf32> to vector<16xf32>
        %swap3A_199 = vector.shape_cast %mul3A_192 : vector<16xf32> to vector<1x1x16xf32>
        tpu.vector_store %arg6[%swap3A_194, %swap3A_195, %swap3A_196], %swap3A_199 {strides = array<i32>} : memref<2x512x64xf32, #tpu.memory_space<vmem>>, vector<1x1x16xf32>,
        %get3A_200 = arith.constant 1 : i32
        %get3A_201 = arith.index_cast %get3A_200 : i32 to index
        %get3A_202 = arith.index_cast %scan3A_153 : i32 to index
        %get3A_203 = arith.constant 48 : index
        %get3A_204 = tpu.vector_load %arg6[%get3A_201, %get3A_202, %get3A_203] {strides = array<i32>} : memref<2x512x64xf32, #tpu.memory_space<vmem>>, vector<1x1x16xf32>,
        %get3A_205 = vector.shape_cast %get3A_204 : vector<1x1x16xf32> to vector<16xf32>
        %mul3A_206 = arith.constant 8.000000e+00 : f32
        %mul3A_207 = vector.broadcast %mul3A_206 : f32 to vector<16xf32>
        %mul3A_208 = arith.mulf %get3A_205, %mul3A_207 : vector<16xf32>
        %swap3A_209 = arith.constant 1 : i32
        %swap3A_210 = arith.index_cast %swap3A_209 : i32 to index
        %swap3A_211 = arith.index_cast %scan3A_153 : i32 to index
        %swap3A_212 = arith.constant 48 : index
        %swap3A_213 = tpu.vector_load %arg6[%swap3A_210, %swap3A_211, %swap3A_212] {strides = array<i32>} : memref<2x512x64xf32, #tpu.memory_space<vmem>>, vector<1x1x16xf32>,
        %swap3A_214 = vector.shape_cast %swap3A_213 : vector<1x1x16xf32> to vector<16xf32>
        %swap3A_215 = vector.shape_cast %mul3A_208 : vector<16xf32> to vector<1x1x16xf32>
        tpu.vector_store %arg6[%swap3A_210, %swap3A_211, %swap3A_212], %swap3A_215 {strides = array<i32>} : memref<2x512x64xf32, #tpu.memory_space<vmem>>, vector<1x1x16xf32>,
        %scan3A_216 = arith.constant 1 : i32
        %scan3A_217 = arith.addi %scan3A_153, %scan3A_216 : i32
        %get3A_218 = arith.constant 1 : i32
        %get3A_219 = arith.index_cast %get3A_218 : i32 to index
        %get3A_220 = arith.index_cast %scan3A_217 : i32 to index
        %get3A_221 = arith.constant 0 : index
        %get3A_222 = tpu.vector_load %arg6[%get3A_219, %get3A_220, %get3A_221] {strides = array<i32>} : memref<2x512x64xf32, #tpu.memory_space<vmem>>, vector<1x1x16xf32>,
        %get3A_223 = vector.shape_cast %get3A_222 : vector<1x1x16xf32> to vector<16xf32>
        %mul3A_224 = arith.constant 8.000000e+00 : f32
        %mul3A_225 = vector.broadcast %mul3A_224 : f32 to vector<16xf32>
        %mul3A_226 = arith.mulf %get3A_223, %mul3A_225 : vector<16xf32>
        %swap3A_227 = arith.constant 1 : i32
        %swap3A_228 = arith.index_cast %swap3A_227 : i32 to index
        %swap3A_229 = arith.index_cast %scan3A_217 : i32 to index
        %swap3A_230 = arith.constant 0 : index
        %swap3A_231 = tpu.vector_load %arg6[%swap3A_228, %swap3A_229, %swap3A_230] {strides = array<i32>} : memref<2x512x64xf32, #tpu.memory_space<vmem>>, vector<1x1x16xf32>,
        %swap3A_232 = vector.shape_cast %swap3A_231 : vector<1x1x16xf32> to vector<16xf32>
        %swap3A_233 = vector.shape_cast %mul3A_226 : vector<16xf32> to vector<1x1x16xf32>
        tpu.vector_store %arg6[%swap3A_228, %swap3A_229, %swap3A_230], %swap3A_233 {strides = array<i32>} : memref<2x512x64xf32, #tpu.memory_space<vmem>>, vector<1x1x16xf32>,
        %get3A_234 = arith.constant 1 : i32
        %get3A_235 = arith.index_cast %get3A_234 : i32 to index
        %get3A_236 = arith.index_cast %scan3A_217 : i32 to index
        %get3A_237 = arith.constant 16 : index
        %get3A_238 = tpu.vector_load %arg6[%get3A_235, %get3A_236, %get3A_237] {strides = array<i32>} : memref<2x512x64xf32, #tpu.memory_space<vmem>>, vector<1x1x16xf32>,
        %get3A_239 = vector.shape_cast %get3A_238 : vector<1x1x16xf32> to vector<16xf32>
        %mul3A_240 = arith.constant 8.000000e+00 : f32
        %mul3A_241 = vector.broadcast %mul3A_240 : f32 to vector<16xf32>
        %mul3A_242 = arith.mulf %get3A_239, %mul3A_241 : vector<16xf32>
        %swap3A_243 = arith.constant 1 : i32
        %swap3A_244 = arith.index_cast %swap3A_243 : i32 to index
        %swap3A_245 = arith.index_cast %scan3A_217 : i32 to index
        %swap3A_246 = arith.constant 16 : index
        %swap3A_247 = tpu.vector_load %arg6[%swap3A_244, %swap3A_245, %swap3A_246] {strides = array<i32>} : memref<2x512x64xf32, #tpu.memory_space<vmem>>, vector<1x1x16xf32>,
        %swap3A_248 = vector.shape_cast %swap3A_247 : vector<1x1x16xf32> to vector<16xf32>
        %swap3A_249 = vector.shape_cast %mul3A_242 : vector<16xf32> to vector<1x1x16xf32>
        tpu.vector_store %arg6[%swap3A_244, %swap3A_245, %swap3A_246], %swap3A_249 {strides = array<i32>} : memref<2x512x64xf32, #tpu.memory_space<vmem>>, vector<1x1x16xf32>,
        %get3A_250 = arith.constant 1 : i32
        %get3A_251 = arith.index_cast %get3A_250 : i32 to index
        %get3A_252 = arith.index_cast %scan3A_217 : i32 to index
        %get3A_253 = arith.constant 32 : index
        %get3A_254 = tpu.vector_load %arg6[%get3A_251, %get3A_252, %get3A_253] {strides = array<i32>} : memref<2x512x64xf32, #tpu.memory_space<vmem>>, vector<1x1x16xf32>,
        %get3A_255 = vector.shape_cast %get3A_254 : vector<1x1x16xf32> to vector<16xf32>
        %mul3A_256 = arith.constant 8.000000e+00 : f32
        %mul3A_257 = vector.broadcast %mul3A_256 : f32 to vector<16xf32>
        %mul3A_258 = arith.mulf %get3A_255, %mul3A_257 : vector<16xf32>
        %swap3A_259 = arith.constant 1 : i32
        %swap3A_260 = arith.index_cast %swap3A_259 : i32 to index
        %swap3A_261 = arith.index_cast %scan3A_217 : i32 to index
        %swap3A_262 = arith.constant 32 : index
        %swap3A_263 = tpu.vector_load %arg6[%swap3A_260, %swap3A_261, %swap3A_262] {strides = array<i32>} : memref<2x512x64xf32, #tpu.memory_space<vmem>>, vector<1x1x16xf32>,
        %swap3A_264 = vector.shape_cast %swap3A_263 : vector<1x1x16xf32> to vector<16xf32>
        %swap3A_265 = vector.shape_cast %mul3A_258 : vector<16xf32> to vector<1x1x16xf32>
        tpu.vector_store %arg6[%swap3A_260, %swap3A_261, %swap3A_262], %swap3A_265 {strides = array<i32>} : memref<2x512x64xf32, #tpu.memory_space<vmem>>, vector<1x1x16xf32>,
        %get3A_266 = arith.constant 1 : i32
        %get3A_267 = arith.index_cast %get3A_266 : i32 to index
        %get3A_268 = arith.index_cast %scan3A_217 : i32 to index
        %get3A_269 = arith.constant 48 : index
        %get3A_270 = tpu.vector_load %arg6[%get3A_267, %get3A_268, %get3A_269] {strides = array<i32>} : memref<2x512x64xf32, #tpu.memory_space<vmem>>, vector<1x1x16xf32>,
        %get3A_271 = vector.shape_cast %get3A_270 : vector<1x1x16xf32> to vector<16xf32>
        %mul3A_272 = arith.constant 8.000000e+00 : f32
        %mul3A_273 = vector.broadcast %mul3A_272 : f32 to vector<16xf32>
        %mul3A_274 = arith.mulf %get3A_271, %mul3A_273 : vector<16xf32>
        %swap3A_275 = arith.constant 1 : i32
        %swap3A_276 = arith.index_cast %swap3A_275 : i32 to index
        %swap3A_277 = arith.index_cast %scan3A_217 : i32 to index
        %swap3A_278 = arith.constant 48 : index
        %swap3A_279 = tpu.vector_load %arg6[%swap3A_276, %swap3A_277, %swap3A_278] {strides = array<i32>} : memref<2x512x64xf32, #tpu.memory_space<vmem>>, vector<1x1x16xf32>,
        %swap3A_280 = vector.shape_cast %swap3A_279 : vector<1x1x16xf32> to vector<16xf32>
        %swap3A_281 = vector.shape_cast %mul3A_274 : vector<16xf32> to vector<1x1x16xf32>
        tpu.vector_store %arg6[%swap3A_276, %swap3A_277, %swap3A_278], %swap3A_281 {strides = array<i32>} : memref<2x512x64xf32, #tpu.memory_space<vmem>>, vector<1x1x16xf32>,
        %scan3A_282 = arith.constant 2 : i32
        %scan3A_283 = arith.addi %scan3A_153, %scan3A_282 : i32
        %get3A_284 = arith.constant 1 : i32
        %get3A_285 = arith.index_cast %get3A_284 : i32 to index
        %get3A_286 = arith.index_cast %scan3A_283 : i32 to index
        %get3A_287 = arith.constant 0 : index
        %get3A_288 = tpu.vector_load %arg6[%get3A_285, %get3A_286, %get3A_287] {strides = array<i32>} : memref<2x512x64xf32, #tpu.memory_space<vmem>>, vector<1x1x16xf32>,
        %get3A_289 = vector.shape_cast %get3A_288 : vector<1x1x16xf32> to vector<16xf32>
        %mul3A_290 = arith.constant 8.000000e+00 : f32
        %mul3A_291 = vector.broadcast %mul3A_290 : f32 to vector<16xf32>
        %mul3A_292 = arith.mulf %get3A_289, %mul3A_291 : vector<16xf32>
        %swap3A_293 = arith.constant 1 : i32
        %swap3A_294 = arith.index_cast %swap3A_293 : i32 to index
        %swap3A_295 = arith.index_cast %scan3A_283 : i32 to index
        %swap3A_296 = arith.constant 0 : index
        %swap3A_297 = tpu.vector_load %arg6[%swap3A_294, %swap3A_295, %swap3A_296] {strides = array<i32>} : memref<2x512x64xf32, #tpu.memory_space<vmem>>, vector<1x1x16xf32>,
        %swap3A_298 = vector.shape_cast %swap3A_297 : vector<1x1x16xf32> to vector<16xf32>
        %swap3A_299 = vector.shape_cast %mul3A_292 : vector<16xf32> to vector<1x1x16xf32>
        tpu.vector_store %arg6[%swap3A_294, %swap3A_295, %swap3A_296], %swap3A_299 {strides = array<i32>} : memref<2x512x64xf32, #tpu.memory_space<vmem>>, vector<1x1x16xf32>,
        %get3A_300 = arith.constant 1 : i32
        %get3A_301 = arith.index_cast %get3A_300 : i32 to index
        %get3A_302 = arith.index_cast %scan3A_283 : i32 to index
        %get3A_303 = arith.constant 16 : index
        %get3A_304 = tpu.vector_load %arg6[%get3A_301, %get3A_302, %get3A_303] {strides = array<i32>} : memref<2x512x64xf32, #tpu.memory_space<vmem>>, vector<1x1x16xf32>,
        %get3A_305 = vector.shape_cast %get3A_304 : vector<1x1x16xf32> to vector<16xf32>
        %mul3A_306 = arith.constant 8.000000e+00 : f32
        %mul3A_307 = vector.broadcast %mul3A_306 : f32 to vector<16xf32>
        %mul3A_308 = arith.mulf %get3A_305, %mul3A_307 : vector<16xf32>
        %swap3A_309 = arith.constant 1 : i32
        %swap3A_310 = arith.index_cast %swap3A_309 : i32 to index
        %swap3A_311 = arith.index_cast %scan3A_283 : i32 to index
        %swap3A_312 = arith.constant 16 : index
        %swap3A_313 = tpu.vector_load %arg6[%swap3A_310, %swap3A_311, %swap3A_312] {strides = array<i32>} : memref<2x512x64xf32, #tpu.memory_space<vmem>>, vector<1x1x16xf32>,
        %swap3A_314 = vector.shape_cast %swap3A_313 : vector<1x1x16xf32> to vector<16xf32>
        %swap3A_315 = vector.shape_cast %mul3A_308 : vector<16xf32> to vector<1x1x16xf32>
        tpu.vector_store %arg6[%swap3A_310, %swap3A_311, %swap3A_312], %swap3A_315 {strides = array<i32>} : memref<2x512x64xf32, #tpu.memory_space<vmem>>, vector<1x1x16xf32>,
        %get3A_316 = arith.constant 1 : i32
        %get3A_317 = arith.index_cast %get3A_316 : i32 to index
        %get3A_318 = arith.index_cast %scan3A_283 : i32 to index
        %get3A_319 = arith.constant 32 : index
        %get3A_320 = tpu.vector_load %arg6[%get3A_317, %get3A_318, %get3A_319] {strides = array<i32>} : memref<2x512x64xf32, #tpu.memory_space<vmem>>, vector<1x1x16xf32>,
        %get3A_321 = vector.shape_cast %get3A_320 : vector<1x1x16xf32> to vector<16xf32>
        %mul3A_322 = arith.constant 8.000000e+00 : f32
        %mul3A_323 = vector.broadcast %mul3A_322 : f32 to vector<16xf32>
        %mul3A_324 = arith.mulf %get3A_321, %mul3A_323 : vector<16xf32>
        %swap3A_325 = arith.constant 1 : i32
        %swap3A_326 = arith.index_cast %swap3A_325 : i32 to index
        %swap3A_327 = arith.index_cast %scan3A_283 : i32 to index
        %swap3A_328 = arith.constant 32 : index
        %swap3A_329 = tpu.vector_load %arg6[%swap3A_326, %swap3A_327, %swap3A_328] {strides = array<i32>} : memref<2x512x64xf32, #tpu.memory_space<vmem>>, vector<1x1x16xf32>,
        %swap3A_330 = vector.shape_cast %swap3A_329 : vector<1x1x16xf32> to vector<16xf32>
        %swap3A_331 = vector.shape_cast %mul3A_324 : vector<16xf32> to vector<1x1x16xf32>
        tpu.vector_store %arg6[%swap3A_326, %swap3A_327, %swap3A_328], %swap3A_331 {strides = array<i32>} : memref<2x512x64xf32, #tpu.memory_space<vmem>>, vector<1x1x16xf32>,
        %get3A_332 = arith.constant 1 : i32
        %get3A_333 = arith.index_cast %get3A_332 : i32 to index
        %get3A_334 = arith.index_cast %scan3A_283 : i32 to index
        %get3A_335 = arith.constant 48 : index
        %get3A_336 = tpu.vector_load %arg6[%get3A_333, %get3A_334, %get3A_335] {strides = array<i32>} : memref<2x512x64xf32, #tpu.memory_space<vmem>>, vector<1x1x16xf32>,
        %get3A_337 = vector.shape_cast %get3A_336 : vector<1x1x16xf32> to vector<16xf32>
        %mul3A_338 = arith.constant 8.000000e+00 : f32
        %mul3A_339 = vector.broadcast %mul3A_338 : f32 to vector<16xf32>
        %mul3A_340 = arith.mulf %get3A_337, %mul3A_339 : vector<16xf32>
        %swap3A_341 = arith.constant 1 : i32
        %swap3A_342 = arith.index_cast %swap3A_341 : i32 to index
        %swap3A_343 = arith.index_cast %scan3A_283 : i32 to index
        %swap3A_344 = arith.constant 48 : index
        %swap3A_345 = tpu.vector_load %arg6[%swap3A_342, %swap3A_343, %swap3A_344] {strides = array<i32>} : memref<2x512x64xf32, #tpu.memory_space<vmem>>, vector<1x1x16xf32>,
        %swap3A_346 = vector.shape_cast %swap3A_345 : vector<1x1x16xf32> to vector<16xf32>
        %swap3A_347 = vector.shape_cast %mul3A_340 : vector<16xf32> to vector<1x1x16xf32>
        tpu.vector_store %arg6[%swap3A_342, %swap3A_343, %swap3A_344], %swap3A_347 {strides = array<i32>} : memref<2x512x64xf32, #tpu.memory_space<vmem>>, vector<1x1x16xf32>,
        %scan3A_348 = arith.constant 3 : i32
        %scan3A_349 = arith.addi %scan3A_153, %scan3A_348 : i32
        %get3A_350 = arith.constant 1 : i32
        %get3A_351 = arith.index_cast %get3A_350 : i32 to index
        %get3A_352 = arith.index_cast %scan3A_349 : i32 to index
        %get3A_353 = arith.constant 0 : index
        %get3A_354 = tpu.vector_load %arg6[%get3A_351, %get3A_352, %get3A_353] {strides = array<i32>} : memref<2x512x64xf32, #tpu.memory_space<vmem>>, vector<1x1x16xf32>,
        %get3A_355 = vector.shape_cast %get3A_354 : vector<1x1x16xf32> to vector<16xf32>
        %mul3A_356 = arith.constant 8.000000e+00 : f32
        %mul3A_357 = vector.broadcast %mul3A_356 : f32 to vector<16xf32>
        %mul3A_358 = arith.mulf %get3A_355, %mul3A_357 : vector<16xf32>
        %swap3A_359 = arith.constant 1 : i32
        %swap3A_360 = arith.index_cast %swap3A_359 : i32 to index
        %swap3A_361 = arith.index_cast %scan3A_349 : i32 to index
        %swap3A_362 = arith.constant 0 : index
        %swap3A_363 = tpu.vector_load %arg6[%swap3A_360, %swap3A_361, %swap3A_362] {strides = array<i32>} : memref<2x512x64xf32, #tpu.memory_space<vmem>>, vector<1x1x16xf32>,
        %swap3A_364 = vector.shape_cast %swap3A_363 : vector<1x1x16xf32> to vector<16xf32>
        %swap3A_365 = vector.shape_cast %mul3A_358 : vector<16xf32> to vector<1x1x16xf32>
        tpu.vector_store %arg6[%swap3A_360, %swap3A_361, %swap3A_362], %swap3A_365 {strides = array<i32>} : memref<2x512x64xf32, #tpu.memory_space<vmem>>, vector<1x1x16xf32>,
        %get3A_366 = arith.constant 1 : i32
        %get3A_367 = arith.index_cast %get3A_366 : i32 to index
        %get3A_368 = arith.index_cast %scan3A_349 : i32 to index
        %get3A_369 = arith.constant 16 : index
        %get3A_370 = tpu.vector_load %arg6[%get3A_367, %get3A_368, %get3A_369] {strides = array<i32>} : memref<2x512x64xf32, #tpu.memory_space<vmem>>, vector<1x1x16xf32>,
        %get3A_371 = vector.shape_cast %get3A_370 : vector<1x1x16xf32> to vector<16xf32>
        %mul3A_372 = arith.constant 8.000000e+00 : f32
        %mul3A_373 = vector.broadcast %mul3A_372 : f32 to vector<16xf32>
        %mul3A_374 = arith.mulf %get3A_371, %mul3A_373 : vector<16xf32>
        %swap3A_375 = arith.constant 1 : i32
        %swap3A_376 = arith.index_cast %swap3A_375 : i32 to index
        %swap3A_377 = arith.index_cast %scan3A_349 : i32 to index
        %swap3A_378 = arith.constant 16 : index
        %swap3A_379 = tpu.vector_load %arg6[%swap3A_376, %swap3A_377, %swap3A_378] {strides = array<i32>} : memref<2x512x64xf32, #tpu.memory_space<vmem>>, vector<1x1x16xf32>,
        %swap3A_380 = vector.shape_cast %swap3A_379 : vector<1x1x16xf32> to vector<16xf32>
        %swap3A_381 = vector.shape_cast %mul3A_374 : vector<16xf32> to vector<1x1x16xf32>
        tpu.vector_store %arg6[%swap3A_376, %swap3A_377, %swap3A_378], %swap3A_381 {strides = array<i32>} : memref<2x512x64xf32, #tpu.memory_space<vmem>>, vector<1x1x16xf32>,
        %get3A_382 = arith.constant 1 : i32
        %get3A_383 = arith.index_cast %get3A_382 : i32 to index
        %get3A_384 = arith.index_cast %scan3A_349 : i32 to index
        %get3A_385 = arith.constant 32 : index
        %get3A_386 = tpu.vector_load %arg6[%get3A_383, %get3A_384, %get3A_385] {strides = array<i32>} : memref<2x512x64xf32, #tpu.memory_space<vmem>>, vector<1x1x16xf32>,
        %get3A_387 = vector.shape_cast %get3A_386 : vector<1x1x16xf32> to vector<16xf32>
        %mul3A_388 = arith.constant 8.000000e+00 : f32
        %mul3A_389 = vector.broadcast %mul3A_388 : f32 to vector<16xf32>
        %mul3A_390 = arith.mulf %get3A_387, %mul3A_389 : vector<16xf32>
        %swap3A_391 = arith.constant 1 : i32
        %swap3A_392 = arith.index_cast %swap3A_391 : i32 to index
        %swap3A_393 = arith.index_cast %scan3A_349 : i32 to index
        %swap3A_394 = arith.constant 32 : index
        %swap3A_395 = tpu.vector_load %arg6[%swap3A_392, %swap3A_393, %swap3A_394] {strides = array<i32>} : memref<2x512x64xf32, #tpu.memory_space<vmem>>, vector<1x1x16xf32>,
        %swap3A_396 = vector.shape_cast %swap3A_395 : vector<1x1x16xf32> to vector<16xf32>
        %swap3A_397 = vector.shape_cast %mul3A_390 : vector<16xf32> to vector<1x1x16xf32>
        tpu.vector_store %arg6[%swap3A_392, %swap3A_393, %swap3A_394], %swap3A_397 {strides = array<i32>} : memref<2x512x64xf32, #tpu.memory_space<vmem>>, vector<1x1x16xf32>,
        %get3A_398 = arith.constant 1 : i32
        %get3A_399 = arith.index_cast %get3A_398 : i32 to index
        %get3A_400 = arith.index_cast %scan3A_349 : i32 to index
        %get3A_401 = arith.constant 48 : index
        %get3A_402 = tpu.vector_load %arg6[%get3A_399, %get3A_400, %get3A_401] {strides = array<i32>} : memref<2x512x64xf32, #tpu.memory_space<vmem>>, vector<1x1x16xf32>,
        %get3A_403 = vector.shape_cast %get3A_402 : vector<1x1x16xf32> to vector<16xf32>
        %mul3A_404 = arith.constant 8.000000e+00 : f32
        %mul3A_405 = vector.broadcast %mul3A_404 : f32 to vector<16xf32>
        %mul3A_406 = arith.mulf %get3A_403, %mul3A_405 : vector<16xf32>
        %swap3A_407 = arith.constant 1 : i32
        %swap3A_408 = arith.index_cast %swap3A_407 : i32 to index
        %swap3A_409 = arith.index_cast %scan3A_349 : i32 to index
        %swap3A_410 = arith.constant 48 : index
        %swap3A_411 = tpu.vector_load %arg6[%swap3A_408, %swap3A_409, %swap3A_410] {strides = array<i32>} : memref<2x512x64xf32, #tpu.memory_space<vmem>>, vector<1x1x16xf32>,
        %swap3A_412 = vector.shape_cast %swap3A_411 : vector<1x1x16xf32> to vector<16xf32>
        %swap3A_413 = vector.shape_cast %mul3A_406 : vector<16xf32> to vector<1x1x16xf32>
        tpu.vector_store %arg6[%swap3A_408, %swap3A_409, %swap3A_410], %swap3A_413 {strides = array<i32>} : memref<2x512x64xf32, #tpu.memory_space<vmem>>, vector<1x1x16xf32>,
        %scan3A_414 = arith.constant 4 : i32
        %scan3A_415 = arith.addi %scan3A_153, %scan3A_414 : i32
        %get3A_416 = arith.constant 1 : i32
        %get3A_417 = arith.index_cast %get3A_416 : i32 to index
        %get3A_418 = arith.index_cast %scan3A_415 : i32 to index
        %get3A_419 = arith.constant 0 : index
        %get3A_420 = tpu.vector_load %arg6[%get3A_417, %get3A_418, %get3A_419] {strides = array<i32>} : memref<2x512x64xf32, #tpu.memory_space<vmem>>, vector<1x1x16xf32>,
        %get3A_421 = vector.shape_cast %get3A_420 : vector<1x1x16xf32> to vector<16xf32>
        %mul3A_422 = arith.constant 8.000000e+00 : f32
        %mul3A_423 = vector.broadcast %mul3A_422 : f32 to vector<16xf32>
        %mul3A_424 = arith.mulf %get3A_421, %mul3A_423 : vector<16xf32>
        %swap3A_425 = arith.constant 1 : i32
        %swap3A_426 = arith.index_cast %swap3A_425 : i32 to index
        %swap3A_427 = arith.index_cast %scan3A_415 : i32 to index
        %swap3A_428 = arith.constant 0 : index
        %swap3A_429 = tpu.vector_load %arg6[%swap3A_426, %swap3A_427, %swap3A_428] {strides = array<i32>} : memref<2x512x64xf32, #tpu.memory_space<vmem>>, vector<1x1x16xf32>,
        %swap3A_430 = vector.shape_cast %swap3A_429 : vector<1x1x16xf32> to vector<16xf32>
        %swap3A_431 = vector.shape_cast %mul3A_424 : vector<16xf32> to vector<1x1x16xf32>
        tpu.vector_store %arg6[%swap3A_426, %swap3A_427, %swap3A_428], %swap3A_431 {strides = array<i32>} : memref<2x512x64xf32, #tpu.memory_space<vmem>>, vector<1x1x16xf32>,
        %get3A_432 = arith.constant 1 : i32
        %get3A_433 = arith.index_cast %get3A_432 : i32 to index
        %get3A_434 = arith.index_cast %scan3A_415 : i32 to index
        %get3A_435 = arith.constant 16 : index
        %get3A_436 = tpu.vector_load %arg6[%get3A_433, %get3A_434, %get3A_435] {strides = array<i32>} : memref<2x512x64xf32, #tpu.memory_space<vmem>>, vector<1x1x16xf32>,
        %get3A_437 = vector.shape_cast %get3A_436 : vector<1x1x16xf32> to vector<16xf32>
        %mul3A_438 = arith.constant 8.000000e+00 : f32
        %mul3A_439 = vector.broadcast %mul3A_438 : f32 to vector<16xf32>
        %mul3A_440 = arith.mulf %get3A_437, %mul3A_439 : vector<16xf32>
        %swap3A_441 = arith.constant 1 : i32
        %swap3A_442 = arith.index_cast %swap3A_441 : i32 to index
        %swap3A_443 = arith.index_cast %scan3A_415 : i32 to index
        %swap3A_444 = arith.constant 16 : index
        %swap3A_445 = tpu.vector_load %arg6[%swap3A_442, %swap3A_443, %swap3A_444] {strides = array<i32>} : memref<2x512x64xf32, #tpu.memory_space<vmem>>, vector<1x1x16xf32>,
        %swap3A_446 = vector.shape_cast %swap3A_445 : vector<1x1x16xf32> to vector<16xf32>
        %swap3A_447 = vector.shape_cast %mul3A_440 : vector<16xf32> to vector<1x1x16xf32>
        tpu.vector_store %arg6[%swap3A_442, %swap3A_443, %swap3A_444], %swap3A_447 {strides = array<i32>} : memref<2x512x64xf32, #tpu.memory_space<vmem>>, vector<1x1x16xf32>,
        %get3A_448 = arith.constant 1 : i32
        %get3A_449 = arith.index_cast %get3A_448 : i32 to index
        %get3A_450 = arith.index_cast %scan3A_415 : i32 to index
        %get3A_451 = arith.constant 32 : index
        %get3A_452 = tpu.vector_load %arg6[%get3A_449, %get3A_450, %get3A_451] {strides = array<i32>} : memref<2x512x64xf32, #tpu.memory_space<vmem>>, vector<1x1x16xf32>,
        %get3A_453 = vector.shape_cast %get3A_452 : vector<1x1x16xf32> to vector<16xf32>
        %mul3A_454 = arith.constant 8.000000e+00 : f32
        %mul3A_455 = vector.broadcast %mul3A_454 : f32 to vector<16xf32>
        %mul3A_456 = arith.mulf %get3A_453, %mul3A_455 : vector<16xf32>
        %swap3A_457 = arith.constant 1 : i32
        %swap3A_458 = arith.index_cast %swap3A_457 : i32 to index
        %swap3A_459 = arith.index_cast %scan3A_415 : i32 to index
        %swap3A_460 = arith.constant 32 : index
        %swap3A_461 = tpu.vector_load %arg6[%swap3A_458, %swap3A_459, %swap3A_460] {strides = array<i32>} : memref<2x512x64xf32, #tpu.memory_space<vmem>>, vector<1x1x16xf32>,
        %swap3A_462 = vector.shape_cast %swap3A_461 : vector<1x1x16xf32> to vector<16xf32>
        %swap3A_463 = vector.shape_cast %mul3A_456 : vector<16xf32> to vector<1x1x16xf32>
        tpu.vector_store %arg6[%swap3A_458, %swap3A_459, %swap3A_460], %swap3A_463 {strides = array<i32>} : memref<2x512x64xf32, #tpu.memory_space<vmem>>, vector<1x1x16xf32>,
        %get3A_464 = arith.constant 1 : i32
        %get3A_465 = arith.index_cast %get3A_464 : i32 to index
        %get3A_466 = arith.index_cast %scan3A_415 : i32 to index
        %get3A_467 = arith.constant 48 : index
        %get3A_468 = tpu.vector_load %arg6[%get3A_465, %get3A_466, %get3A_467] {strides = array<i32>} : memref<2x512x64xf32, #tpu.memory_space<vmem>>, vector<1x1x16xf32>,
        %get3A_469 = vector.shape_cast %get3A_468 : vector<1x1x16xf32> to vector<16xf32>
        %mul3A_470 = arith.constant 8.000000e+00 : f32
        %mul3A_471 = vector.broadcast %mul3A_470 : f32 to vector<16xf32>
        %mul3A_472 = arith.mulf %get3A_469, %mul3A_471 : vector<16xf32>
        %swap3A_473 = arith.constant 1 : i32
        %swap3A_474 = arith.index_cast %swap3A_473 : i32 to index
        %swap3A_475 = arith.index_cast %scan3A_415 : i32 to index
        %swap3A_476 = arith.constant 48 : index
        %swap3A_477 = tpu.vector_load %arg6[%swap3A_474, %swap3A_475, %swap3A_476] {strides = array<i32>} : memref<2x512x64xf32, #tpu.memory_space<vmem>>, vector<1x1x16xf32>,
        %swap3A_478 = vector.shape_cast %swap3A_477 : vector<1x1x16xf32> to vector<16xf32>
        %swap3A_479 = vector.shape_cast %mul3A_472 : vector<16xf32> to vector<1x1x16xf32>
        tpu.vector_store %arg6[%swap3A_474, %swap3A_475, %swap3A_476], %swap3A_479 {strides = array<i32>} : memref<2x512x64xf32, #tpu.memory_space<vmem>>, vector<1x1x16xf32>,
        %scan3A_480 = arith.constant 5 : i32
        %scan3A_481 = arith.addi %scan3A_153, %scan3A_480 : i32
        %get3A_482 = arith.constant 1 : i32
        %get3A_483 = arith.index_cast %get3A_482 : i32 to index
        %get3A_484 = arith.index_cast %scan3A_481 : i32 to index
        %get3A_485 = arith.constant 0 : index
        %get3A_486 = tpu.vector_load %arg6[%get3A_483, %get3A_484, %get3A_485] {strides = array<i32>} : memref<2x512x64xf32, #tpu.memory_space<vmem>>, vector<1x1x16xf32>,
        %get3A_487 = vector.shape_cast %get3A_486 : vector<1x1x16xf32> to vector<16xf32>
        %mul3A_488 = arith.constant 8.000000e+00 : f32
        %mul3A_489 = vector.broadcast %mul3A_488 : f32 to vector<16xf32>
        %mul3A_490 = arith.mulf %get3A_487, %mul3A_489 : vector<16xf32>
        %swap3A_491 = arith.constant 1 : i32
        %swap3A_492 = arith.index_cast %swap3A_491 : i32 to index
        %swap3A_493 = arith.index_cast %scan3A_481 : i32 to index
        %swap3A_494 = arith.constant 0 : index
        %swap3A_495 = tpu.vector_load %arg6[%swap3A_492, %swap3A_493, %swap3A_494] {strides = array<i32>} : memref<2x512x64xf32, #tpu.memory_space<vmem>>, vector<1x1x16xf32>,
        %swap3A_496 = vector.shape_cast %swap3A_495 : vector<1x1x16xf32> to vector<16xf32>
        %swap3A_497 = vector.shape_cast %mul3A_490 : vector<16xf32> to vector<1x1x16xf32>
        tpu.vector_store %arg6[%swap3A_492, %swap3A_493, %swap3A_494], %swap3A_497 {strides = array<i32>} : memref<2x512x64xf32, #tpu.memory_space<vmem>>, vector<1x1x16xf32>,
        %get3A_498 = arith.constant 1 : i32
        %get3A_499 = arith.index_cast %get3A_498 : i32 to index
        %get3A_500 = arith.index_cast %scan3A_481 : i32 to index
        %get3A_501 = arith.constant 16 : index
        %get3A_502 = tpu.vector_load %arg6[%get3A_499, %get3A_500, %get3A_501] {strides = array<i32>} : memref<2x512x64xf32, #tpu.memory_space<vmem>>, vector<1x1x16xf32>,
        %get3A_503 = vector.shape_cast %get3A_502 : vector<1x1x16xf32> to vector<16xf32>
        %mul3A_504 = arith.constant 8.000000e+00 : f32
        %mul3A_505 = vector.broadcast %mul3A_504 : f32 to vector<16xf32>
        %mul3A_506 = arith.mulf %get3A_503, %mul3A_505 : vector<16xf32>
        %swap3A_507 = arith.constant 1 : i32
        %swap3A_508 = arith.index_cast %swap3A_507 : i32 to index
        %swap3A_509 = arith.index_cast %scan3A_481 : i32 to index
        %swap3A_510 = arith.constant 16 : index
        %swap3A_511 = tpu.vector_load %arg6[%swap3A_508, %swap3A_509, %swap3A_510] {strides = array<i32>} : memref<2x512x64xf32, #tpu.memory_space<vmem>>, vector<1x1x16xf32>,
        %swap3A_512 = vector.shape_cast %swap3A_511 : vector<1x1x16xf32> to vector<16xf32>
        %swap3A_513 = vector.shape_cast %mul3A_506 : vector<16xf32> to vector<1x1x16xf32>
        tpu.vector_store %arg6[%swap3A_508, %swap3A_509, %swap3A_510], %swap3A_513 {strides = array<i32>} : memref<2x512x64xf32, #tpu.memory_space<vmem>>, vector<1x1x16xf32>,
        %get3A_514 = arith.constant 1 : i32
        %get3A_515 = arith.index_cast %get3A_514 : i32 to index
        %get3A_516 = arith.index_cast %scan3A_481 : i32 to index
        %get3A_517 = arith.constant 32 : index
        %get3A_518 = tpu.vector_load %arg6[%get3A_515, %get3A_516, %get3A_517] {strides = array<i32>} : memref<2x512x64xf32, #tpu.memory_space<vmem>>, vector<1x1x16xf32>,
        %get3A_519 = vector.shape_cast %get3A_518 : vector<1x1x16xf32> to vector<16xf32>
        %mul3A_520 = arith.constant 8.000000e+00 : f32
        %mul3A_521 = vector.broadcast %mul3A_520 : f32 to vector<16xf32>
        %mul3A_522 = arith.mulf %get3A_519, %mul3A_521 : vector<16xf32>
        %swap3A_523 = arith.constant 1 : i32
        %swap3A_524 = arith.index_cast %swap3A_523 : i32 to index
        %swap3A_525 = arith.index_cast %scan3A_481 : i32 to index
        %swap3A_526 = arith.constant 32 : index
        %swap3A_527 = tpu.vector_load %arg6[%swap3A_524, %swap3A_525, %swap3A_526] {strides = array<i32>} : memref<2x512x64xf32, #tpu.memory_space<vmem>>, vector<1x1x16xf32>,
        %swap3A_528 = vector.shape_cast %swap3A_527 : vector<1x1x16xf32> to vector<16xf32>
        %swap3A_529 = vector.shape_cast %mul3A_522 : vector<16xf32> to vector<1x1x16xf32>
        tpu.vector_store %arg6[%swap3A_524, %swap3A_525, %swap3A_526], %swap3A_529 {strides = array<i32>} : memref<2x512x64xf32, #tpu.memory_space<vmem>>, vector<1x1x16xf32>,
        %get3A_530 = arith.constant 1 : i32
        %get3A_531 = arith.index_cast %get3A_530 : i32 to index
        %get3A_532 = arith.index_cast %scan3A_481 : i32 to index
        %get3A_533 = arith.constant 48 : index
        %get3A_534 = tpu.vector_load %arg6[%get3A_531, %get3A_532, %get3A_533] {strides = array<i32>} : memref<2x512x64xf32, #tpu.memory_space<vmem>>, vector<1x1x16xf32>,
        %get3A_535 = vector.shape_cast %get3A_534 : vector<1x1x16xf32> to vector<16xf32>
        %mul3A_536 = arith.constant 8.000000e+00 : f32
        %mul3A_537 = vector.broadcast %mul3A_536 : f32 to vector<16xf32>
        %mul3A_538 = arith.mulf %get3A_535, %mul3A_537 : vector<16xf32>
        %swap3A_539 = arith.constant 1 : i32
        %swap3A_540 = arith.index_cast %swap3A_539 : i32 to index
        %swap3A_541 = arith.index_cast %scan3A_481 : i32 to index
        %swap3A_542 = arith.constant 48 : index
        %swap3A_543 = tpu.vector_load %arg6[%swap3A_540, %swap3A_541, %swap3A_542] {strides = array<i32>} : memref<2x512x64xf32, #tpu.memory_space<vmem>>, vector<1x1x16xf32>,
        %swap3A_544 = vector.shape_cast %swap3A_543 : vector<1x1x16xf32> to vector<16xf32>
        %swap3A_545 = vector.shape_cast %mul3A_538 : vector<16xf32> to vector<1x1x16xf32>
        tpu.vector_store %arg6[%swap3A_540, %swap3A_541, %swap3A_542], %swap3A_545 {strides = array<i32>} : memref<2x512x64xf32, #tpu.memory_space<vmem>>, vector<1x1x16xf32>,
        %scan3A_546 = arith.constant 6 : i32
        %scan3A_547 = arith.addi %scan3A_153, %scan3A_546 : i32
        %get3A_548 = arith.constant 1 : i32
        %get3A_549 = arith.index_cast %get3A_548 : i32 to index
        %get3A_550 = arith.index_cast %scan3A_547 : i32 to index
        %get3A_551 = arith.constant 0 : index
        %get3A_552 = tpu.vector_load %arg6[%get3A_549, %get3A_550, %get3A_551] {strides = array<i32>} : memref<2x512x64xf32, #tpu.memory_space<vmem>>, vector<1x1x16xf32>,
        %get3A_553 = vector.shape_cast %get3A_552 : vector<1x1x16xf32> to vector<16xf32>
        %mul3A_554 = arith.constant 8.000000e+00 : f32
        %mul3A_555 = vector.broadcast %mul3A_554 : f32 to vector<16xf32>
        %mul3A_556 = arith.mulf %get3A_553, %mul3A_555 : vector<16xf32>
        %swap3A_557 = arith.constant 1 : i32
        %swap3A_558 = arith.index_cast %swap3A_557 : i32 to index
        %swap3A_559 = arith.index_cast %scan3A_547 : i32 to index
        %swap3A_560 = arith.constant 0 : index
        %swap3A_561 = tpu.vector_load %arg6[%swap3A_558, %swap3A_559, %swap3A_560] {strides = array<i32>} : memref<2x512x64xf32, #tpu.memory_space<vmem>>, vector<1x1x16xf32>,
        %swap3A_562 = vector.shape_cast %swap3A_561 : vector<1x1x16xf32> to vector<16xf32>
        %swap3A_563 = vector.shape_cast %mul3A_556 : vector<16xf32> to vector<1x1x16xf32>
        tpu.vector_store %arg6[%swap3A_558, %swap3A_559, %swap3A_560], %swap3A_563 {strides = array<i32>} : memref<2x512x64xf32, #tpu.memory_space<vmem>>, vector<1x1x16xf32>,
        %get3A_564 = arith.constant 1 : i32
        %get3A_565 = arith.index_cast %get3A_564 : i32 to index
        %get3A_566 = arith.index_cast %scan3A_547 : i32 to index
        %get3A_567 = arith.constant 16 : index
        %get3A_568 = tpu.vector_load %arg6[%get3A_565, %get3A_566, %get3A_567] {strides = array<i32>} : memref<2x512x64xf32, #tpu.memory_space<vmem>>, vector<1x1x16xf32>,
        %get3A_569 = vector.shape_cast %get3A_568 : vector<1x1x16xf32> to vector<16xf32>
        %mul3A_570 = arith.constant 8.000000e+00 : f32
        %mul3A_571 = vector.broadcast %mul3A_570 : f32 to vector<16xf32>
        %mul3A_572 = arith.mulf %get3A_569, %mul3A_571 : vector<16xf32>
        %swap3A_573 = arith.constant 1 : i32
        %swap3A_574 = arith.index_cast %swap3A_573 : i32 to index
        %swap3A_575 = arith.index_cast %scan3A_547 : i32 to index
        %swap3A_576 = arith.constant 16 : index
        %swap3A_577 = tpu.vector_load %arg6[%swap3A_574, %swap3A_575, %swap3A_576] {strides = array<i32>} : memref<2x512x64xf32, #tpu.memory_space<vmem>>, vector<1x1x16xf32>,
        %swap3A_578 = vector.shape_cast %swap3A_577 : vector<1x1x16xf32> to vector<16xf32>
        %swap3A_579 = vector.shape_cast %mul3A_572 : vector<16xf32> to vector<1x1x16xf32>
        tpu.vector_store %arg6[%swap3A_574, %swap3A_575, %swap3A_576], %swap3A_579 {strides = array<i32>} : memref<2x512x64xf32, #tpu.memory_space<vmem>>, vector<1x1x16xf32>,
        %get3A_580 = arith.constant 1 : i32
        %get3A_581 = arith.index_cast %get3A_580 : i32 to index
        %get3A_582 = arith.index_cast %scan3A_547 : i32 to index
        %get3A_583 = arith.constant 32 : index
        %get3A_584 = tpu.vector_load %arg6[%get3A_581, %get3A_582, %get3A_583] {strides = array<i32>} : memref<2x512x64xf32, #tpu.memory_space<vmem>>, vector<1x1x16xf32>,
        %get3A_585 = vector.shape_cast %get3A_584 : vector<1x1x16xf32> to vector<16xf32>
        %mul3A_586 = arith.constant 8.000000e+00 : f32
        %mul3A_587 = vector.broadcast %mul3A_586 : f32 to vector<16xf32>
        %mul3A_588 = arith.mulf %get3A_585, %mul3A_587 : vector<16xf32>
        %swap3A_589 = arith.constant 1 : i32
        %swap3A_590 = arith.index_cast %swap3A_589 : i32 to index
        %swap3A_591 = arith.index_cast %scan3A_547 : i32 to index
        %swap3A_592 = arith.constant 32 : index
        %swap3A_593 = tpu.vector_load %arg6[%swap3A_590, %swap3A_591, %swap3A_592] {strides = array<i32>} : memref<2x512x64xf32, #tpu.memory_space<vmem>>, vector<1x1x16xf32>,
        %swap3A_594 = vector.shape_cast %swap3A_593 : vector<1x1x16xf32> to vector<16xf32>
        %swap3A_595 = vector.shape_cast %mul3A_588 : vector<16xf32> to vector<1x1x16xf32>
        tpu.vector_store %arg6[%swap3A_590, %swap3A_591, %swap3A_592], %swap3A_595 {strides = array<i32>} : memref<2x512x64xf32, #tpu.memory_space<vmem>>, vector<1x1x16xf32>,
        %get3A_596 = arith.constant 1 : i32
        %get3A_597 = arith.index_cast %get3A_596 : i32 to index
        %get3A_598 = arith.index_cast %scan3A_547 : i32 to index
        %get3A_599 = arith.constant 48 : index
        %get3A_600 = tpu.vector_load %arg6[%get3A_597, %get3A_598, %get3A_599] {strides = array<i32>} : memref<2x512x64xf32, #tpu.memory_space<vmem>>, vector<1x1x16xf32>,
        %get3A_601 = vector.shape_cast %get3A_600 : vector<1x1x16xf32> to vector<16xf32>
        %mul3A_602 = arith.constant 8.000000e+00 : f32
        %mul3A_603 = vector.broadcast %mul3A_602 : f32 to vector<16xf32>
        %mul3A_604 = arith.mulf %get3A_601, %mul3A_603 : vector<16xf32>
        %swap3A_605 = arith.constant 1 : i32
        %swap3A_606 = arith.index_cast %swap3A_605 : i32 to index
        %swap3A_607 = arith.index_cast %scan3A_547 : i32 to index
        %swap3A_608 = arith.constant 48 : index
        %swap3A_609 = tpu.vector_load %arg6[%swap3A_606, %swap3A_607, %swap3A_608] {strides = array<i32>} : memref<2x512x64xf32, #tpu.memory_space<vmem>>, vector<1x1x16xf32>,
        %swap3A_610 = vector.shape_cast %swap3A_609 : vector<1x1x16xf32> to vector<16xf32>
        %swap3A_611 = vector.shape_cast %mul3A_604 : vector<16xf32> to vector<1x1x16xf32>
        tpu.vector_store %arg6[%swap3A_606, %swap3A_607, %swap3A_608], %swap3A_611 {strides = array<i32>} : memref<2x512x64xf32, #tpu.memory_space<vmem>>, vector<1x1x16xf32>,
        %scan3A_612 = arith.constant 7 : i32
        %scan3A_613 = arith.addi %scan3A_153, %scan3A_612 : i32
        %get3A_614 = arith.constant 1 : i32
        %get3A_615 = arith.index_cast %get3A_614 : i32 to index
        %get3A_616 = arith.index_cast %scan3A_613 : i32 to index
        %get3A_617 = arith.constant 0 : index
        %get3A_618 = tpu.vector_load %arg6[%get3A_615, %get3A_616, %get3A_617] {strides = array<i32>} : memref<2x512x64xf32, #tpu.memory_space<vmem>>, vector<1x1x16xf32>,
        %get3A_619 = vector.shape_cast %get3A_618 : vector<1x1x16xf32> to vector<16xf32>
        %mul3A_620 = arith.constant 8.000000e+00 : f32
        %mul3A_621 = vector.broadcast %mul3A_620 : f32 to vector<16xf32>
        %mul3A_622 = arith.mulf %get3A_619, %mul3A_621 : vector<16xf32>
        %swap3A_623 = arith.constant 1 : i32
        %swap3A_624 = arith.index_cast %swap3A_623 : i32 to index
        %swap3A_625 = arith.index_cast %scan3A_613 : i32 to index
        %swap3A_626 = arith.constant 0 : index
        %swap3A_627 = tpu.vector_load %arg6[%swap3A_624, %swap3A_625, %swap3A_626] {strides = array<i32>} : memref<2x512x64xf32, #tpu.memory_space<vmem>>, vector<1x1x16xf32>,
        %swap3A_628 = vector.shape_cast %swap3A_627 : vector<1x1x16xf32> to vector<16xf32>
        %swap3A_629 = vector.shape_cast %mul3A_622 : vector<16xf32> to vector<1x1x16xf32>
        tpu.vector_store %arg6[%swap3A_624, %swap3A_625, %swap3A_626], %swap3A_629 {strides = array<i32>} : memref<2x512x64xf32, #tpu.memory_space<vmem>>, vector<1x1x16xf32>,
        %get3A_630 = arith.constant 1 : i32
        %get3A_631 = arith.index_cast %get3A_630 : i32 to index
        %get3A_632 = arith.index_cast %scan3A_613 : i32 to index
        %get3A_633 = arith.constant 16 : index
        %get3A_634 = tpu.vector_load %arg6[%get3A_631, %get3A_632, %get3A_633] {strides = array<i32>} : memref<2x512x64xf32, #tpu.memory_space<vmem>>, vector<1x1x16xf32>,
        %get3A_635 = vector.shape_cast %get3A_634 : vector<1x1x16xf32> to vector<16xf32>
        %mul3A_636 = arith.constant 8.000000e+00 : f32
        %mul3A_637 = vector.broadcast %mul3A_636 : f32 to vector<16xf32>
        %mul3A_638 = arith.mulf %get3A_635, %mul3A_637 : vector<16xf32>
        %swap3A_639 = arith.constant 1 : i32
        %swap3A_640 = arith.index_cast %swap3A_639 : i32 to index
        %swap3A_641 = arith.index_cast %scan3A_613 : i32 to index
        %swap3A_642 = arith.constant 16 : index
        %swap3A_643 = tpu.vector_load %arg6[%swap3A_640, %swap3A_641, %swap3A_642] {strides = array<i32>} : memref<2x512x64xf32, #tpu.memory_space<vmem>>, vector<1x1x16xf32>,
        %swap3A_644 = vector.shape_cast %swap3A_643 : vector<1x1x16xf32> to vector<16xf32>
        %swap3A_645 = vector.shape_cast %mul3A_638 : vector<16xf32> to vector<1x1x16xf32>
        tpu.vector_store %arg6[%swap3A_640, %swap3A_641, %swap3A_642], %swap3A_645 {strides = array<i32>} : memref<2x512x64xf32, #tpu.memory_space<vmem>>, vector<1x1x16xf32>,
        %get3A_646 = arith.constant 1 : i32
        %get3A_647 = arith.index_cast %get3A_646 : i32 to index
        %get3A_648 = arith.index_cast %scan3A_613 : i32 to index
        %get3A_649 = arith.constant 32 : index
        %get3A_650 = tpu.vector_load %arg6[%get3A_647, %get3A_648, %get3A_649] {strides = array<i32>} : memref<2x512x64xf32, #tpu.memory_space<vmem>>, vector<1x1x16xf32>,
        %get3A_651 = vector.shape_cast %get3A_650 : vector<1x1x16xf32> to vector<16xf32>
        %mul3A_652 = arith.constant 8.000000e+00 : f32
        %mul3A_653 = vector.broadcast %mul3A_652 : f32 to vector<16xf32>
        %mul3A_654 = arith.mulf %get3A_651, %mul3A_653 : vector<16xf32>
        %swap3A_655 = arith.constant 1 : i32
        %swap3A_656 = arith.index_cast %swap3A_655 : i32 to index
        %swap3A_657 = arith.index_cast %scan3A_613 : i32 to index
        %swap3A_658 = arith.constant 32 : index
        %swap3A_659 = tpu.vector_load %arg6[%swap3A_656, %swap3A_657, %swap3A_658] {strides = array<i32>} : memref<2x512x64xf32, #tpu.memory_space<vmem>>, vector<1x1x16xf32>,
        %swap3A_660 = vector.shape_cast %swap3A_659 : vector<1x1x16xf32> to vector<16xf32>
        %swap3A_661 = vector.shape_cast %mul3A_654 : vector<16xf32> to vector<1x1x16xf32>
        tpu.vector_store %arg6[%swap3A_656, %swap3A_657, %swap3A_658], %swap3A_661 {strides = array<i32>} : memref<2x512x64xf32, #tpu.memory_space<vmem>>, vector<1x1x16xf32>,
        %get3A_662 = arith.constant 1 : i32
        %get3A_663 = arith.index_cast %get3A_662 : i32 to index
        %get3A_664 = arith.index_cast %scan3A_613 : i32 to index
        %get3A_665 = arith.constant 48 : index
        %get3A_666 = tpu.vector_load %arg6[%get3A_663, %get3A_664, %get3A_665] {strides = array<i32>} : memref<2x512x64xf32, #tpu.memory_space<vmem>>, vector<1x1x16xf32>,
        %get3A_667 = vector.shape_cast %get3A_666 : vector<1x1x16xf32> to vector<16xf32>
        %mul3A_668 = arith.constant 8.000000e+00 : f32
        %mul3A_669 = vector.broadcast %mul3A_668 : f32 to vector<16xf32>
        %mul3A_670 = arith.mulf %get3A_667, %mul3A_669 : vector<16xf32>
        %swap3A_671 = arith.constant 1 : i32
        %swap3A_672 = arith.index_cast %swap3A_671 : i32 to index
        %swap3A_673 = arith.index_cast %scan3A_613 : i32 to index
        %swap3A_674 = arith.constant 48 : index
        %swap3A_675 = tpu.vector_load %arg6[%swap3A_672, %swap3A_673, %swap3A_674] {strides = array<i32>} : memref<2x512x64xf32, #tpu.memory_space<vmem>>, vector<1x1x16xf32>,
        %swap3A_676 = vector.shape_cast %swap3A_675 : vector<1x1x16xf32> to vector<16xf32>
        %swap3A_677 = vector.shape_cast %mul3A_670 : vector<16xf32> to vector<1x1x16xf32>
        tpu.vector_store %arg6[%swap3A_672, %swap3A_673, %swap3A_674], %swap3A_677 {strides = array<i32>} : memref<2x512x64xf32, #tpu.memory_space<vmem>>, vector<1x1x16xf32>,
      }
      %scan3A_133 = arith.constant 512 : i32
      %mul3A_134 = arith.constant 512 : i32
      %mul3A_135 = arith.muli %add3A_106, %mul3A_134 : i32
      %add3A_136 = arith.addi %mul3A_2, %mul3A_135 : i32
      %dma_start3A_137 = arith.constant 1 : i32
      %dma_start3A_138 = arith.constant 1 : i32
      %dma_start3A_139 = arith.constant 0 : i32
      %dma_start3A_140 = arith.constant 0 : i32
      %dma_start3A_141 = tpu.memref_slice %arg6[%dma_start3A_137, %dma_start3A_139, %dma_start3A_140] : memref<2x512x64xf32, #tpu.memory_space<vmem>> -> memref<1x512x64xf32, #tpu.memory_space<vmem>>
      %dma_start3A_142 = tpu.memref_squeeze %dma_start3A_141 : memref<1x512x64xf32, #tpu.memory_space<vmem>> -> memref<512x64xf32, #tpu.memory_space<vmem>>
      %dma_start3A_143 = arith.constant 0 : i32
      %dma_start3A_144 = tpu.memref_slice %arg4[%add3A_136, %dma_start3A_143] : memref<819200x64xf32, #tpu.memory_space<hbm>> -> memref<512x64xf32, #tpu.memory_space<hbm>>
      %dma_start3A_145 = tpu.memref_slice %arg8[%dma_start3A_138] : memref<2x!tpu.dma_semaphore, #tpu.memory_space<semaphore_mem>> -> memref<1x!tpu.dma_semaphore, #tpu.memory_space<semaphore_mem>>
      %dma_start3A_146 = tpu.memref_squeeze %dma_start3A_145 : memref<1x!tpu.dma_semaphore, #tpu.memory_space<semaphore_mem>> -> memref<!tpu.dma_semaphore, #tpu.memory_space<semaphore_mem>>
      %dma_start3A_147 = arith.constant 0 : i32
      %dma_start3A_148 = tpu.memref_slice %arg4[%add3A_136, %dma_start3A_147] : memref<819200x64xf32, #tpu.memory_space<hbm>> -> memref<512x64xf32, #tpu.memory_space<hbm>>
      %dma_start3A_149 = arith.constant 0 : i32
      %dma_start3A_150 = arith.constant 0 : i32
      %dma_start3A_151 = tpu.memref_slice %arg6[%dma_start3A_137, %dma_start3A_149, %dma_start3A_150] : memref<2x512x64xf32, #tpu.memory_space<vmem>> -> memref<1x512x64xf32, #tpu.memory_space<vmem>>
      %dma_start3A_152 = tpu.memref_squeeze %dma_start3A_151 : memref<1x512x64xf32, #tpu.memory_space<vmem>> -> memref<512x64xf32, #tpu.memory_space<vmem>>
      tpu.enqueue_dma source(%dma_start3A_152 : memref<512x64xf32, #tpu.memory_space<vmem>>) target(%dma_start3A_148 : memref<512x64xf32, #tpu.memory_space<hbm>>) target_semaphore(%dma_start3A_146 : memref<!tpu.dma_semaphore, #tpu.memory_space<semaphore_mem>>)
    }
    %scan3A_19 = arith.constant 25 : i32
    %add3A_20 = arith.constant 24576 : i32
    %add3A_21 = arith.addi %mul3A_2, %add3A_20 : i32
    %dma_wait3A = arith.constant 0 : i32
    %dma_wait3A_22 = arith.constant 0 : i32
    %dma_wait3A_23 = arith.constant 0 : i32
    %dma_wait3A_24 = arith.constant 0 : i32
    %dma_wait3A_25 = tpu.memref_slice %arg6[%dma_wait3A, %dma_wait3A_23, %dma_wait3A_24] : memref<2x512x64xf32, #tpu.memory_space<vmem>> -> memref<1x512x64xf32, #tpu.memory_space<vmem>>
    %dma_wait3A_26 = tpu.memref_squeeze %dma_wait3A_25 : memref<1x512x64xf32, #tpu.memory_space<vmem>> -> memref<512x64xf32, #tpu.memory_space<vmem>>
    %dma_wait3A_27 = arith.constant 0 : i32
    %dma_wait3A_28 = tpu.memref_slice %arg4[%add3A_21, %dma_wait3A_27] : memref<819200x64xf32, #tpu.memory_space<hbm>> -> memref<512x64xf32, #tpu.memory_space<hbm>>
    %dma_wait3A_29 = tpu.memref_slice %arg8[%dma_wait3A_22] : memref<2x!tpu.dma_semaphore, #tpu.memory_space<semaphore_mem>> -> memref<1x!tpu.dma_semaphore, #tpu.memory_space<semaphore_mem>>
    %dma_wait3A_30 = tpu.memref_squeeze %dma_wait3A_29 : memref<1x!tpu.dma_semaphore, #tpu.memory_space<semaphore_mem>> -> memref<!tpu.dma_semaphore, #tpu.memory_space<semaphore_mem>>
    %dma_wait3A_31 = arith.constant 0 : i32
    %dma_wait3A_32 = tpu.memref_slice %arg4[%add3A_21, %dma_wait3A_31] : memref<819200x64xf32, #tpu.memory_space<hbm>> -> memref<512x64xf32, #tpu.memory_space<hbm>>
    %dma_wait3A_33 = arith.constant 0 : i32
    %dma_wait3A_34 = arith.constant 0 : i32
    %dma_wait3A_35 = tpu.memref_slice %arg6[%dma_wait3A, %dma_wait3A_33, %dma_wait3A_34] : memref<2x512x64xf32, #tpu.memory_space<vmem>> -> memref<1x512x64xf32, #tpu.memory_space<vmem>>
    %dma_wait3A_36 = tpu.memref_squeeze %dma_wait3A_35 : memref<1x512x64xf32, #tpu.memory_space<vmem>> -> memref<512x64xf32, #tpu.memory_space<vmem>>
    tpu.wait_dma2 semaphore(%dma_wait3A_30 : memref<!tpu.dma_semaphore, #tpu.memory_space<semaphore_mem>>) src(%dma_wait3A_36 : memref<512x64xf32, #tpu.memory_space<vmem>>) dst(%dma_wait3A_32 : memref<512x64xf32, #tpu.memory_space<hbm>>)
    %add3A_37 = arith.constant 25088 : i32
    %add3A_38 = arith.addi %mul3A_2, %add3A_37 : i32
    %dma_wait3A_39 = arith.constant 1 : i32
    %dma_wait3A_40 = arith.constant 1 : i32
    %dma_wait3A_41 = arith.constant 0 : i32
    %dma_wait3A_42 = arith.constant 0 : i32
    %dma_wait3A_43 = tpu.memref_slice %arg6[%dma_wait3A_39, %dma_wait3A_41, %dma_wait3A_42] : memref<2x512x64xf32, #tpu.memory_space<vmem>> -> memref<1x512x64xf32, #tpu.memory_space<vmem>>
    %dma_wait3A_44 = tpu.memref_squeeze %dma_wait3A_43 : memref<1x512x64xf32, #tpu.memory_space<vmem>> -> memref<512x64xf32, #tpu.memory_space<vmem>>
    %dma_wait3A_45 = arith.constant 0 : i32
    %dma_wait3A_46 = tpu.memref_slice %arg4[%add3A_38, %dma_wait3A_45] : memref<819200x64xf32, #tpu.memory_space<hbm>> -> memref<512x64xf32, #tpu.memory_space<hbm>>
    %dma_wait3A_47 = tpu.memref_slice %arg8[%dma_wait3A_40] : memref<2x!tpu.dma_semaphore, #tpu.memory_space<semaphore_mem>> -> memref<1x!tpu.dma_semaphore, #tpu.memory_space<semaphore_mem>>
    %dma_wait3A_48 = tpu.memref_squeeze %dma_wait3A_47 : memref<1x!tpu.dma_semaphore, #tpu.memory_space<semaphore_mem>> -> memref<!tpu.dma_semaphore, #tpu.memory_space<semaphore_mem>>
    %dma_wait3A_49 = arith.constant 0 : i32
    %dma_wait3A_50 = tpu.memref_slice %arg4[%add3A_38, %dma_wait3A_49] : memref<819200x64xf32, #tpu.memory_space<hbm>> -> memref<512x64xf32, #tpu.memory_space<hbm>>
    %dma_wait3A_51 = arith.constant 0 : i32
    %dma_wait3A_52 = arith.constant 0 : i32
    %dma_wait3A_53 = tpu.memref_slice %arg6[%dma_wait3A_39, %dma_wait3A_51, %dma_wait3A_52] : memref<2x512x64xf32, #tpu.memory_space<vmem>> -> memref<1x512x64xf32, #tpu.memory_space<vmem>>
    %dma_wait3A_54 = tpu.memref_squeeze %dma_wait3A_53 : memref<1x512x64xf32, #tpu.memory_space<vmem>> -> memref<512x64xf32, #tpu.memory_space<vmem>>
    tpu.wait_dma2 semaphore(%dma_wait3A_48 : memref<!tpu.dma_semaphore, #tpu.memory_space<semaphore_mem>>) src(%dma_wait3A_54 : memref<512x64xf32, #tpu.memory_space<vmem>>) dst(%dma_wait3A_50 : memref<512x64xf32, #tpu.memory_space<hbm>>)
    return
  }
}

</mosaic_0001>

<sc_bundles>
// kernel: kernel.3.cloned.1.call-start
scs
__scs_entry_jumppad:
0x0: {  	(pc) =	sbr.rel $0x88, $3  }
0x1: {  	(tag) =	ssettag $0x0;
	lr =	simm.s32 $0x1  }
0x2: {  	[smem:$0x3F9F] =	sst lr;
	_ =	strace $0xD0000000  }
0x3: {  	_ = 	snop  }
0x4: {  	_ = 	snop  }
0x5: {  	_ = 	snop  }
0x6: {  	_ = 	snop  }
0x7: {  	_ = 	snop  }
__scs_overlays_trampoline_lowered:
0x8: {  	[smem:$0x3FAE] =	sst s0  }
0x9: {  	[smem:$0x3FAF] =	sst s1  }
0xa: {  	[smem:$0x3FB0] =	sst s2  }
0xb: {  	[smem:$0x3FB1] =	sst s3  }
0xc: {  	[smem:$0x3FB2] =	sst s4  }
0xd: {  	[smem:$0x3FB3] =	sst s5  }
0xe: {  	[smem:$0x3FB4] =	sst s6  }
0xf: {  	[smem:$0x3FB5] =	sst s7  }
0x10: {  	[smem:$0x3FB6] =	sst s8  }
0x11: {  	[smem:$0x3FB7] =	sst s9;
	s0 =	simm.s32 @!p0 $0x0  }
0x12: {  	s1 =	sld [smem:$0x3F9D];
	s0 =	simm.s32 @p0 $0x1  }
0x13: {  	[smem:$0x3FB8] =	sst s0;
	s0 =	simm.s32 @!p1 $0x0  }
0x14: {  	s2 =	sld [smem:$0x3F9C];
	s0 =	simm.s32 @p1 $0x1  }
0x15: {  	[smem:$0x3FB9] =	sst s0;
	s0 =	simm.s32 @!p2 $0x0  }
0x16: {  	s3 =	sld [smem:$0x3FDB];
	s0 =	simm.s32 @p2 $0x1  }
0x17: {  	s4 =	simm.s32 $0x1BF5;
	[smem:$0x3FBB] =	sst s0  }
0x18: {  	s0 =	sld [smem:$0x3F9E];
	_ =	swait.ge [sflag:s4], $0x0  }
0x19: {  	s7 =	sld [smem:$0x3F9F]  }
0x1a: {  	s8 =	sadd.s32 $0xFFFFE003, lr  }
0x1b: {  	s9 =	sadd.s32 $0xFFFFFEF7, lr;
	s5 =	simm.s32 $0xFFFFFFFF;
	p2 =	slt.u32 s8, $0xFFFFF086  }
0x1c: {  	p1 =	slt.u32 s9, $0xF7A;
	s5 =	simm.s32 @!p2 $0x0  }
0x1d: {  	s5 =	simm.s32 @p1 $0x1;
	p0 =	seq.s32 s7, s2  }
0x1e: {  	s7 =	smul.u32 @!p0 $0xF7A, s2;
	p2 =	seq.s32 @!p0 s5, $0x0  }
0x1f: {  	s9 =	smul.u32 $0xF7A, s1;
	s8 =	simm.s32 @!p0 $0x1BF5;
	p2 =	por !p2, p0  }
0x20: {  	[sflag:s8] =	ssyncset.s32 @!p0 $0xFFFFF086;
	s6 =	sadd.s32 @!p0 s3, s7;
	s7 =	simm.s32 @!p0 $0x108  }
0x21: {  	s3 =	sadd.s32 s3, s9;
	s6 =	sadd.s32 @!p0 $0x88, s6;
	s7 =	simm.s32 @p2 $0x1082  }
0x22: {  	[simem:s7], [sflag:s8] =	dma.local @!p0 [hbm:s6], $0xF7A  }
0x23: {  	s9 =	sor.u32 $0xD0000000, s2;
	s6 =	simm.s32 $0x108;
	_ =	swait.ge @!p0 [sflag:s8], $0x0  }
0x24: {  	s3 =	sadd.s32 $0x88, s3;
	s6 =	simm.s32 @!p1 $0x1082;
	[sflag:s4] =	ssyncset.s32 $0xFFFFF086  }
0x25: {  	[simem:s6], [sflag:s4] =	dma.local [hbm:s3], $0xF7A  }
0x26: {  	[smem:$0x3F9F] =	sst s1;
	(tag) =	ssettag s2;
	_ =	strace s9  }
0x27: {  	s1 =	sld [smem:$0x3FAF]  }
0x28: {  	s2 =	sld [smem:$0x3FB0]  }
0x29: {  	s4 =	sld [smem:$0x3FB2]  }
0x2a: {  	p0 =	seq.s32 s5, $0x0;
	s5 =	sld [smem:$0x3FB3]  }
0x2b: {  	s6 =	sld [smem:$0x3FB4]  }
0x2c: {  	s7 =	sld [smem:$0x3FB5]  }
0x2d: {  	s3 =	simm.s32 $0x108;
	s8 =	sld [smem:$0x3FB6]  }
0x2e: {  	s3 =	simm.s32 @!p0 $0x1082;
	s9 =	sld [smem:$0x3FB7]  }
0x2f: {  	lr =	sadd.s32 s0, s3;
	s0 =	sld [smem:$0x3FAE]  }
0x30: {  	s3 =	sld [smem:$0x3FB1]  }
0x31: {  	[smem:$0x3FBA] =	sst s10  }
0x32: {  	s10 =	sld [smem:$0x3FB8];
	_ =	sdelay $0x3  }
0x33: {  	p0 =	seq.s32 s10, $0x1;
	s10 =	sld [smem:$0x3FBA];
	_ =	sdelay $0x3  }
0x34: {  	[smem:$0x3FBA] =	sst s10  }
0x35: {  	s10 =	sld [smem:$0x3FB9];
	_ =	sdelay $0x3  }
0x36: {  	p1 =	seq.s32 s10, $0x1;
	s10 =	sld [smem:$0x3FBA];
	_ =	sdelay $0x3  }
0x37: {  	[smem:$0x3FBA] =	sst s10  }
0x38: {  	s10 =	sld [smem:$0x3FBB]  }
0x39: {  	_ = 	snop;
	(pc) =	sbr.ind lr, $3  }
0x3a: {  	_ = 	snop  }
0x3b: {  	_ = 	snop  }
0x3c: {  	p2 =	seq.s32 s10, $0x1;
	s10 =	sld [smem:$0x3FBA]  }
0x3d: {  	_ =	shalt  }
0x3e: {  	_ =	shalt  }
0x3f: {  	_ =	shalt  }
0x40: {  	_ =	shalt  }
0x41: {  	_ =	shalt  }
0x42: {  	_ =	shalt  }
0x43: {  	_ =	shalt  }
0x44: {  	_ =	shalt  }
0x45: {  	_ =	shalt  }
0x46: {  	_ =	shalt  }
0x47: {  	_ =	shalt  }
0x48: {  	_ =	shalt  }
0x49: {  	_ =	shalt  }
0x4a: {  	_ =	shalt  }
0x4b: {  	_ =	shalt  }
0x4c: {  	_ =	shalt  }
0x4d: {  	_ =	shalt  }
0x4e: {  	_ =	shalt  }
0x4f: {  	_ =	shalt  }
0x50: {  	_ =	shalt  }
0x51: {  	_ =	shalt  }
0x52: {  	_ =	shalt  }
0x53: {  	_ =	shalt  }
0x54: {  	_ =	shalt  }
0x55: {  	_ =	shalt  }
0x56: {  	_ =	shalt  }
0x57: {  	_ =	shalt  }
0x58: {  	_ =	shalt  }
0x59: {  	_ =	shalt  }
0x5a: {  	_ =	shalt  }
0x5b: {  	_ =	shalt  }
0x5c: {  	_ =	shalt  }
0x5d: {  	_ =	shalt  }
0x5e: {  	_ =	shalt  }
0x5f: {  	_ =	shalt  }
0x60: {  	_ =	shalt  }
0x61: {  	_ =	shalt  }
0x62: {  	_ =	shalt  }
0x63: {  	_ =	shalt  }
0x64: {  	_ =	shalt  }
0x65: {  	_ =	shalt  }
0x66: {  	_ =	shalt  }
0x67: {  	_ =	shalt  }
0x68: {  	_ =	shalt  }
0x69: {  	_ =	shalt  }
0x6a: {  	_ =	shalt  }
0x6b: {  	_ =	shalt  }
0x6c: {  	_ =	shalt  }
0x6d: {  	_ =	shalt  }
0x6e: {  	_ =	shalt  }
0x6f: {  	_ =	shalt  }
0x70: {  	_ =	shalt  }
0x71: {  	_ =	shalt  }
0x72: {  	_ =	shalt  }
0x73: {  	_ =	shalt  }
0x74: {  	_ =	shalt  }
0x75: {  	_ =	shalt  }
0x76: {  	_ =	shalt  }
0x77: {  	_ =	shalt  }
0x78: {  	_ =	shalt  }
0x79: {  	_ =	shalt  }
0x7a: {  	_ =	shalt  }
0x7b: {  	_ =	shalt  }
0x7c: {  	_ =	shalt  }
0x7d: {  	_ =	shalt  }
0x7e: {  	_ =	shalt  }
0x7f: {  	_ =	shalt  }
0x80: {  	_ =	shalt  }
0x81: {  	_ =	shalt  }
0x82: {  	_ =	shalt  }
0x83: {  	_ =	shalt  }
0x84: {  	_ =	shalt  }
0x85: {  	_ =	shalt  }
0x86: {  	_ =	shalt  }
0x87: {  	_ =	shalt  }
.Lfunc_end0:
.L_simem_size_0:
called_computation.1_lowered:
.L_overlay_start_0:
0x88: {  	s2 =	sld [smem:$0x3FD9]  }
0x89: {  	s3 =	sld [smem:$0x3FFE];
	_ =	sdelay $0x1  }
0x8a: {  	s1 =	srdreg.scid  }
0x8b: {  	s0 =	sand.u32 $0x1, s1  }
0x8c: {  	s17 =	sshll.u32 s0, $0xA;
	s2 =	sadd.s32 s3, s2  }
0x8d: {  	s2 =	sadd.s32 s2, s17  }
0x8e: {  	[smem:$0x3FC6] =	sst s2  }
0x8f: {  	_ = 	snop  }
0x90: {  	s2 =	sld [smem:$0x3FD0];
	(tm) =	ssettm $0x1  }
0x91: {  	s18 =	sld [smem:$0x3FFB];
	_ =	sdelay $0x3  }
0x92: {  	_ =	strace s18  }
0x93: {  	s3 =	sld [smem:$0x3FFC];
	_ =	sdelay $0x3  }
0x94: {  	_ =	strace s3  }
0x95: {  	s3 =	sld [smem:$0x3FFD];
	_ =	sdelay $0x3  }
0x96: {  	_ =	strace s3  }
0x97: {  	_ =	strace $0x8FFFFFFF  }
0x98: {  	s19 =	sld [smem:$0x3FDB];
	_ =	sdelay $0x1  }
0x99: {  	s4 =	simm.s32 $_scs_section_size  }
0x9a: {  	s5 =	simm.s32 $_size__tile_overlayer_lowered;
	s6 =	simm.s32 $_tile_overlayer_lowered  }
0x9b: {  	s22 =	simm.s32 $0x1BFF;
	s21 =	sshll.u32 s6, $0x1;
	s3 =	sadd.s32 s4, s19  }
0x9c: {  	s7 =	simm.s32 $0x0;
	s20 =	sshll.u32 s5, $0x1;
	s5 =	sadd.s32 s21, s3  }
0x9d: {  	[timem:s7], [sflag:s22] =	dma.local [hbm:s5], s20  }
0x9e: {  	_ =	swait.ge [sflag:s22], s20  }
0x9f: {  	s4 =	ssub.s32 $0x0, s20;
	[sflag:s22] =	ssyncset.done $0x0  }
0xa0: {  	[sflag:s22] =	ssyncadd.s32 s4;
	_ =	sdelay $0x1  }
0xa1: {  	s23 =	simm.s32 $0x1B8B  }
0xa2: {  	_ =	swait.ge [sflag:s23], $0x1  }
0xa3: {  	[sflag:s23] =	ssyncset.done $0x0  }
0xa4: {  	s25 =	simm.s32 $0x1B8E;
	s24 =	sld [smem:$0x3FFE];
	[sflag:s23] =	ssyncadd.s32 $0xFFFFFFFF  }
0xa5: {  	s26 =	simm.s32 $execute0_lowered;
	[smem:$0x3FD2] =	sst s25  }
0xa6: {  	s5 =	sshll.u32 s26, $0x1;
	_ =	strace $0x80000046;
	[dreg:$0x1] =	wrdreg $0xFFFFFFFF  }
0xa7: {  	s28 =	simm.s32 $_size_execute0_lowered;
	s3 =	sadd.s32 s3, s5;
	[dreg:$0x0] =	wrdreg $0x0  }
0xa8: {  	s5 =	sshll.u32 s28, $0x1;
	[dreg:$0x2] =	wrdreg s3  }
0xa9: {  	[dreg:$0x3] =	wrdreg s5  }
0xaa: {  	[dreg:$0x4] =	wrdreg $0xC0  }
0xab: {  	_ =	task [dreg:s7], $0x5FFFF  }
0xac: {  	[dreg:$0x1] =	wrdreg $0xFFFFFFFF  }
0xad: {  	[dreg:$0x0] =	wrdreg $0x60  }
0xae: {  	[dreg:$0x2] =	wrdreg s24  }
0xaf: {  	[dreg:$0x3] =	wrdreg s2  }
0xb0: {  	[dreg:$0x4] =	wrdreg $0x9  }
0xb1: {  	_ =	task.clear_ibuf [dreg:s7], $0x5FFFF;
	_ =	strace $0x90000046  }
0xb2: {  	s29 =	simm.s32 $0x9;
	_ =	strace $0x80000048  }
0xb3: {  	_ =	swait.ge [sflag:s29], $0x1  }
0xb4: {  	[sflag:s29] =	ssyncadd.s32 $0xFFFFFFFF  }
0xb5: {  	_ =	strace $0x90000048  }
0xb6: {  	_ =	sfence  }
0xb7: {  	s30 =	sld [smem:$0x0];
	_ =	sdelay $0x2  }
0xb8: {  	s31 =	sshll.u32 s1, $0xD;
	s1 =	sshrl.u32 s1, $0x2  }
0xb9: {  	s3 =	sand.u32 $0x4000, s31;
	s1 =	sadd.s32 s1, s30  }
0xba: {  	s0 =	sor.u32 s3, s0;
	s1 =	sshll.u32 s1, $0x11  }
0xbb: {  	s0 =	sor.u32 s1, s0  }
0xbc: {  	s0 =	sadd.s32 $0x8F2B, s0  }
0xbd: {  	[sflag:s0] =	ssyncadd.remote.s32 $0x1  }
0xbe: {  	_ =	sfence.sel $0xFFFF  }
0xbf: {  	[dreg:$0x0] =	wrdreg $0xFFFFFFFF;
	(pc) =	sbr.abs _section_cstart, $3  }
0xc0: {  	[dreg:$0x1] =	wrdreg $0xFFFFFFFF  }
0xc1: {  	_ =	task.clear_ibuf [dreg:s7], $0x2FFFF;
	_ =	strace $0x9FFFFFFF  }
0xc2: {  	(tm) =	ssettm $0x7FFFFFFF  }
0xc3: {  	_ =	shalt  }
tec
execute0_lowered:
.L_overlay_start_1:
0x0: {  	(tag) =	ssettag $0x1  }
0x1: {  	s4 =	rddreg [dreg:$0x0];
	s1 =	srdreg.scid  }
0x2: {  	s0 =	stileid.u32;
	s2 =	rddreg [dreg:$0x1];
	s3 =	simm.s32 $0x0  }
0x3: {  	s9 =	simm.s32 $0x200;
	s10 =	simm.s32 $0x6400;
	s11 =	simm.s32 $0xE400  }
0x4: {  	s12 =	simm.s32 $0x1;
	s13 =	simm.s32 $0x2;
	s14 =	simm.s32 $0x3  }
0x5: {  	s15 =	simm.s32 $0x4;
	s5 =	sand.u32 $0x1, s1;
	s6 =	sshll.u32 s0, $0x1  }
0x6: {  	s16 =	simm.s32 $0x0;
	s1 =	rddreg [dreg:$0x2];
	s6 =	sor.u32 s5, s6  }
0x7: {  	[smem:$0x7FF] =	sst s3;
	s5 =	ssub.s32 $0x2, s5;
	s7 =	smul.u32 $0xC80, s6  }
0x8: {  	_ =	strace $0x80000047;
	s8 =	sshrl.u32 s5, $0x1;
	s6 =	smul.u32 $0x190000, s6  }
0x9: {  	s8 =	ssub.s32 s5, s8;
	s7 =	sadd.s32 s7, s4;
	s4 =	sadd.s32 $0xF42E00, s4  }
0xa: {  	s5 =	sadd.s32 $0xA00, s7;
	s7 =	smax.u32 s8, $0x1;
	s8 =	simm.s32 $0x5  }
.LBB2_1:
0xb: {  	[tilespmem:s3], [sflag:$0x5] =	stream.linear.gather [hbm4b:s5+s3], $0x6400, $0x38;
	[tilespmem:$0x16400] =	vst v63  }
0xc: {  	_ =	swait.ge [sflag:s8], $0x6400  }
0xd: {  	[sflag:s8] =	ssyncset.done $0x0  }
0xe: {  	s17 =	simm.s32 $0x0;
	[sflag:s8] =	ssyncadd.s32 $0xFFFF9C00  }
0xf: {  	[tilespmem:s10], [sflag:$0x1] =	stream.indirect.gather [hbm4b:s4+s9], $0x40, s3, s9, $0xb8;
	[tilespmem:$0x16400] =	vst v63  }
.LBB2_2:
0x10: {  	p0 =	seq.s32 s17, $0x0  }
0x11: {  	s19 =	simm.s32 @!p0 $0x4  }
0x12: {  	s18 =	sshllo.u32 s17, $0x1;
	_ =	swait.ge @!p0 [sflag:s19], $0x8000  }
0x13: {  	s20 =	sshll.u32 s18, $0x9;
	[sflag:s19] =	ssyncset.done @!p0 $0x0  }
0x14: {  	s31 =	sand.u32 $0x3FFFFE00, s20;
	[sflag:s19] =	ssyncadd.s32 @!p0 $0xFFFF8000  }
0x15: {  	[tilespmem:s11], [sflag:$0x2] =	stream.indirect.gather [hbm4b:s4+s9], $0x40, s31, s9, $0xb8;
	[tilespmem:$0x16400] =	vst v63  }
0x16: {  	_ =	swait.ge [sflag:s12], $0x8000  }
0x17: {  	[sflag:s12] =	ssyncset.done $0x0  }
0x18: {  	s19 =	simm.s32 $0x6500;
	[sflag:s12] =	ssyncadd.s32 $0xFFFF8000  }
0x19: {  	v0 =	vld [tilespmem:s19+$0xFFFFFF00]  }
0x1a: {  	v1 =	vld [tilespmem:s19+$0xFFFFFF10]  }
0x1b: {  	v2 =	vld [tilespmem:s19+$0xFFFFFF20]  }
0x1c: {  	v3 =	vld [tilespmem:s19+$0xFFFFFF30]  }
0x1d: {  	v4 =	vld [tilespmem:s19+$0xFFFFFF40]  }
0x1e: {  	v5 =	vld [tilespmem:s19+$0xFFFFFF50];
	v0 =	vmul.f32 $8.000000000e+00, v0  }
0x1f: {  	v6 =	vld [tilespmem:s19+$0xFFFFFF60];
	v1 =	vmul.f32 $8.000000000e+00, v1  }
0x20: {  	[tilespmem:s19+$0xFFFFFF00] =	vst v0;
	v0 =	vmul.f32 $8.000000000e+00, v2;
	v2 =	vld [tilespmem:s19+$0xFFFFFF70]  }
0x21: {  	[tilespmem:s19+$0xFFFFFF10] =	vst v1;
	v1 =	vmul.f32 $8.000000000e+00, v3;
	v3 =	vld [tilespmem:s19+$0xFFFFFF80]  }
0x22: {  	[tilespmem:s19+$0xFFFFFF20] =	vst v0;
	v0 =	vmul.f32 $8.000000000e+00, v4;
	v4 =	vld [tilespmem:s19+$0xFFFFFF90]  }
0x23: {  	[tilespmem:s19+$0xFFFFFF30] =	vst v1;
	v1 =	vmul.f32 $8.000000000e+00, v5;
	v5 =	vld [tilespmem:s19+$0xFFFFFFA0]  }
0x24: {  	[tilespmem:s19+$0xFFFFFF40] =	vst v0;
	v0 =	vmul.f32 $8.000000000e+00, v6;
	v6 =	vld [tilespmem:s19+$0xFFFFFFB0]  }
0x25: {  	[tilespmem:s19+$0xFFFFFF50] =	vst v1;
	v1 =	vmul.f32 $8.000000000e+00, v2;
	v2 =	vld [tilespmem:s19+$0xFFFFFFC0]  }
0x26: {  	[tilespmem:s19+$0xFFFFFF60] =	vst v0;
	v0 =	vmul.f32 $8.000000000e+00, v3;
	v3 =	vld [tilespmem:s19+$0xFFFFFFD0]  }
0x27: {  	[tilespmem:s19+$0xFFFFFF70] =	vst v1;
	v1 =	vmul.f32 $8.000000000e+00, v4;
	v4 =	vld [tilespmem:s19+$0xFFFFFFE0]  }
0x28: {  	[tilespmem:s19+$0xFFFFFF80] =	vst v0;
	v0 =	vmul.f32 $8.000000000e+00, v5;
	v5 =	vld [tilespmem:s19+$0x0]  }
0x29: {  	[tilespmem:s19+$0xFFFFFF90] =	vst v1;
	v1 =	vmul.f32 $8.000000000e+00, v6;
	v6 =	vld [tilespmem:s19+$0x10]  }
0x2a: {  	[tilespmem:s19+$0xFFFFFFA0] =	vst v0;
	v0 =	vmul.f32 $8.000000000e+00, v2;
	v2 =	vld [tilespmem:s19+$0x20]  }
0x2b: {  	[tilespmem:s19+$0xFFFFFFB0] =	vst v1;
	v1 =	vmul.f32 $8.000000000e+00, v3;
	v3 =	vld [tilespmem:s19+$0x30]  }
0x2c: {  	[tilespmem:s19+$0xFFFFFFC0] =	vst v0;
	v0 =	vmul.f32 $8.000000000e+00, v4;
	v4 =	vld [tilespmem:s19+$0x40]  }
0x2d: {  	[tilespmem:s19+$0xFFFFFFD0] =	vst v1;
	v1 =	vmul.f32 $8.000000000e+00, v5;
	v5 =	vld [tilespmem:s19+$0x50]  }
0x2e: {  	[tilespmem:s19+$0xFFFFFFE0] =	vst v0;
	v0 =	vmul.f32 $8.000000000e+00, v6;
	v6 =	vld [tilespmem:s19+$0x60]  }
0x2f: {  	[tilespmem:s19+$0x0] =	vst v1;
	v1 =	vmul.f32 $8.000000000e+00, v2;
	v2 =	vld [tilespmem:s19+$0x70]  }
0x30: {  	[tilespmem:s19+$0x10] =	vst v0;
	v0 =	vmul.f32 $8.000000000e+00, v3;
	v3 =	vld [tilespmem:s19+$0x80]  }
0x31: {  	[tilespmem:s19+$0x20] =	vst v1;
	v1 =	vmul.f32 $8.000000000e+00, v4;
	v4 =	vld [tilespmem:s19+$0x90]  }
0x32: {  	[tilespmem:s19+$0x30] =	vst v0;
	v0 =	vmul.f32 $8.000000000e+00, v5;
	v5 =	vld [tilespmem:s19+$0xA0]  }
0x33: {  	[tilespmem:s19+$0x40] =	vst v1;
	v1 =	vmul.f32 $8.000000000e+00, v6;
	v6 =	vld [tilespmem:s19+$0xB0]  }
0x34: {  	[tilespmem:s19+$0x50] =	vst v0;
	v2 =	vmul.f32 $8.000000000e+00, v2;
	v0 =	vld [tilespmem:s19+$0xC0]  }
0x35: {  	[tilespmem:s19+$0x60] =	vst v1;
	v3 =	vmul.f32 $8.000000000e+00, v3;
	v1 =	vld [tilespmem:s19+$0xD0]  }
0x36: {  	[tilespmem:s19+$0x70] =	vst v2;
	v7 =	vmul.f32 $8.000000000e+00, v4;
	v2 =	vld [tilespmem:s19+$0xE0]  }
0x37: {  	[tilespmem:s19+$0x80] =	vst v3;
	v3 =	vld [tilespmem:s19+$0xF0];
	v5 =	vmul.f32 $8.000000000e+00, v5  }
0x38: {  	s21 =	simm.s32 $0x6700;
	s20 =	simm.s32 $0x0;
	v4 =	vld [tilespmem:s19+$0xFFFFFFF0];
	[tilespmem:s19+$0x90] =	vst v7;
	v6 =	vmul.f32 $8.000000000e+00, v6  }
.LBB2_3:
0x39: {  	v7 =	vld [tilespmem:s21+$0xFFFFFF00];
	[tilespmem:s19+$0xA0] =	vst v5;
	v0 =	vmul.f32 $8.000000000e+00, v0  }
0x3a: {  	v5 =	vld [tilespmem:s21+$0xFFFFFF10];
	[tilespmem:s19+$0xB0] =	vst v6;
	v1 =	vmul.f32 $8.000000000e+00, v1  }
0x3b: {  	v6 =	vld [tilespmem:s21+$0xFFFFFF20];
	[tilespmem:s19+$0xC0] =	vst v0;
	v0 =	vmul.f32 $8.000000000e+00, v2  }
0x3c: {  	v2 =	vld [tilespmem:s21+$0xFFFFFF30];
	[tilespmem:s19+$0xD0] =	vst v1;
	v1 =	vmul.f32 $8.000000000e+00, v3  }
0x3d: {  	v3 =	vld [tilespmem:s21+$0xFFFFFF40];
	v4 =	vmul.f32 $8.000000000e+00, v4;
	[tilespmem:s19+$0xE0] =	vst v0  }
0x3e: {  	v0 =	vmul.f32 $8.000000000e+00, v7;
	v7 =	vld [tilespmem:s21+$0xFFFFFF50];
	[tilespmem:s19+$0xF0] =	vst v1  }
0x3f: {  	v1 =	vmul.f32 $8.000000000e+00, v5;
	v5 =	vld [tilespmem:s21+$0xFFFFFF60];
	[tilespmem:s19+$0xFFFFFFF0] =	vst v4;
	s19 =	smov.u32 s21  }
0x40: {  	[tilespmem:s21+$0xFFFFFF00] =	vst v0;
	v0 =	vmul.f32 $8.000000000e+00, v6;
	v4 =	vld [tilespmem:s21+$0xFFFFFF70]  }
0x41: {  	[tilespmem:s21+$0xFFFFFF10] =	vst v1;
	v1 =	vmul.f32 $8.000000000e+00, v2;
	v2 =	vld [tilespmem:s21+$0xFFFFFF80]  }
0x42: {  	[tilespmem:s21+$0xFFFFFF20] =	vst v0;
	v0 =	vmul.f32 $8.000000000e+00, v3;
	v3 =	vld [tilespmem:s21+$0xFFFFFF90]  }
0x43: {  	[tilespmem:s21+$0xFFFFFF30] =	vst v1;
	v1 =	vmul.f32 $8.000000000e+00, v7;
	v6 =	vld [tilespmem:s21+$0xFFFFFFA0]  }
0x44: {  	[tilespmem:s21+$0xFFFFFF40] =	vst v0;
	v0 =	vmul.f32 $8.000000000e+00, v5;
	v5 =	vld [tilespmem:s21+$0xFFFFFFB0]  }
0x45: {  	[tilespmem:s21+$0xFFFFFF50] =	vst v1;
	v1 =	vmul.f32 $8.000000000e+00, v4;
	v4 =	vld [tilespmem:s21+$0xFFFFFFC0]  }
0x46: {  	[tilespmem:s21+$0xFFFFFF60] =	vst v0;
	v0 =	vmul.f32 $8.000000000e+00, v2;
	v2 =	vld [tilespmem:s21+$0xFFFFFFD0]  }
0x47: {  	[tilespmem:s21+$0xFFFFFF70] =	vst v1;
	v1 =	vmul.f32 $8.000000000e+00, v3;
	v3 =	vld [tilespmem:s21+$0xFFFFFFE0]  }
0x48: {  	[tilespmem:s21+$0xFFFFFF80] =	vst v0;
	v0 =	vmul.f32 $8.000000000e+00, v6;
	v6 =	vld [tilespmem:s21+$0x0]  }
0x49: {  	[tilespmem:s21+$0xFFFFFF90] =	vst v1;
	v1 =	vmul.f32 $8.000000000e+00, v5;
	v5 =	vld [tilespmem:s21+$0x10]  }
0x4a: {  	[tilespmem:s21+$0xFFFFFFA0] =	vst v0;
	v0 =	vmul.f32 $8.000000000e+00, v4;
	v4 =	vld [tilespmem:s21+$0x20]  }
0x4b: {  	[tilespmem:s21+$0xFFFFFFB0] =	vst v1;
	v1 =	vmul.f32 $8.000000000e+00, v2;
	v2 =	vld [tilespmem:s21+$0x30]  }
0x4c: {  	[tilespmem:s21+$0xFFFFFFC0] =	vst v0;
	v0 =	vmul.f32 $8.000000000e+00, v3;
	v3 =	vld [tilespmem:s21+$0x40]  }
0x4d: {  	[tilespmem:s21+$0xFFFFFFD0] =	vst v1;
	v1 =	vmul.f32 $8.000000000e+00, v6;
	v6 =	vld [tilespmem:s21+$0x50]  }
0x4e: {  	[tilespmem:s21+$0xFFFFFFE0] =	vst v0;
	v0 =	vmul.f32 $8.000000000e+00, v5;
	v5 =	vld [tilespmem:s21+$0x60]  }
0x4f: {  	[tilespmem:s21+$0x0] =	vst v1;
	v1 =	vmul.f32 $8.000000000e+00, v4;
	v4 =	vld [tilespmem:s21+$0x70]  }
0x50: {  	[tilespmem:s21+$0x10] =	vst v0;
	v0 =	vmul.f32 $8.000000000e+00, v2;
	v2 =	vld [tilespmem:s21+$0x80]  }
0x51: {  	[tilespmem:s21+$0x20] =	vst v1;
	v1 =	vmul.f32 $8.000000000e+00, v3;
	v3 =	vld [tilespmem:s21+$0x90]  }
0x52: {  	s20 =	sadd.s32 $0x8, s20;
	[tilespmem:s21+$0x30] =	vst v0;
	v0 =	vmul.f32 $8.000000000e+00, v6;
	v6 =	vld [tilespmem:s21+$0xA0]  }
0x53: {  	p0 =	slt.u32 s20, $0x1F8;
	[tilespmem:s21+$0x40] =	vst v1;
	v1 =	vmul.f32 $8.000000000e+00, v5;
	v7 =	vld [tilespmem:s21+$0xB0]  }
.Ltmp0:
0x54: {  	[tilespmem:s21+$0x50] =	vst v0;
	v4 =	vmul.f32 $8.000000000e+00, v4;
	v0 =	vld [tilespmem:s21+$0xC0];
	(pc) =	sbr.rel @p0 .LBB2_3-.Ltmp0, $4  }
0x55: {  	[tilespmem:s21+$0x60] =	vst v1;
	v5 =	vmul.f32 $8.000000000e+00, v2;
	v1 =	vld [tilespmem:s21+$0xD0]  }
0x56: {  	[tilespmem:s21+$0x70] =	vst v4;
	v8 =	vmul.f32 $8.000000000e+00, v3;
	v2 =	vld [tilespmem:s21+$0xE0]  }
0x57: {  	[tilespmem:s21+$0x80] =	vst v5;
	v5 =	vmul.f32 $8.000000000e+00, v6;
	v3 =	vld [tilespmem:s21+$0xF0]  }
0x58: {  	s21 =	sadd.s32 $0x200, s21;
	v4 =	vld [tilespmem:s19+$0xFFFFFFF0];
	[tilespmem:s19+$0x90] =	vst v8;
	v6 =	vmul.f32 $8.000000000e+00, v7  }
0x59: {  	[tilespmem:s19+$0xA0] =	vst v5;
	v0 =	vmul.f32 $8.000000000e+00, v0  }
0x5a: {  	[tilespmem:s19+$0xB0] =	vst v6;
	v1 =	vmul.f32 $8.000000000e+00, v1  }
0x5b: {  	[tilespmem:s19+$0xC0] =	vst v0;
	v0 =	vmul.f32 $8.000000000e+00, v2  }
0x5c: {  	s20 =	sshll.u32 s17, $0x10;
	[tilespmem:s19+$0xD0] =	vst v1;
	v1 =	vmul.f32 $8.000000000e+00, v3  }
0x5d: {  	s20 =	sadd.s32 s6, s20;
	v2 =	vmul.f32 $8.000000000e+00, v4;
	[tilespmem:s19+$0xE0] =	vst v0  }
0x5e: {  	p0 =	seq.s32 s17, $0x18;
	s20 =	sshrl.u32 s20, $0x3;
	[tilespmem:s19+$0xF0] =	vst v1  }
0x5f: {  	s31 =	sadd.s32 s2, s20;
	[tilespmem:s19+$0xFFFFFFF0] =	vst v2;
	s19 =	simm.s32 @!p0 $0x3  }
0x60: {  	[hbm4b:s31+s3] =	stream.linear.scatter [tilespmem:s10], [sflag:$0x3], $0x8000, $0x38;
	[tilespmem:$0x16400] =	vst v63  }
0x61: {  	_ =	swait.ge @!p0 [sflag:s19], $0x8000  }
0x62: {  	s20 =	sshll.u32 @!p0 s17, $0xA;
	[sflag:s19] =	ssyncset.done @!p0 $0x0  }
0x63: {  	[sflag:s19] =	ssyncadd.s32 @!p0 $0xFFFF8000;
	s19 =	sand.u32 @!p0 $0x3FFFFC00, s20  }
0x64: {  	s21 =	simm.s32 @!p0 $0x6400;
	s20 =	simm.s32 @!p0 $0x200;
	s19 =	sadd.s32 @!p0 $0x400, s19  }
0x65: {  	[tilespmem:s21], [sflag:$0x1] =	stream.indirect.gather @!p0 [hbm4b:s4+s20], $0x40, s19, s20, $0xb8;
	[tilespmem:$0x16400] =	vst v63  }
0x66: {  	_ =	swait.ge [sflag:s13], $0x8000  }
0x67: {  	[sflag:s13] =	ssyncset.done $0x0  }
0x68: {  	s19 =	simm.s32 $0xE400;
	[sflag:s13] =	ssyncadd.s32 $0xFFFF8000  }
0x69: {  	v0 =	vld [tilespmem:s19+$0x1A0]  }
0x6a: {  	v1 =	vld [tilespmem:s19+$0xA0]  }
0x6b: {  	v2 =	vld [tilespmem:s19+$0x90]  }
0x6c: {  	v3 =	vld [tilespmem:s19+$0x80]  }
0x6d: {  	v4 =	vld [tilespmem:s19+$0xB0]  }
0x6e: {  	v5 =	vld [tilespmem:s19+$0x70]  }
0x6f: {  	v6 =	vld [tilespmem:s19+$0xC0]  }
0x70: {  	v12 =	vld [tilespmem:s19+$0x60]  }
0x71: {  	v7 =	vld [tilespmem:s19+$0xD0]  }
0x72: {  	v8 =	vld [tilespmem:s19+$0xE0]  }
0x73: {  	v9 =	vld [tilespmem:s19+$0x1D0]  }
0x74: {  	v10 =	vld [tilespmem:s19+$0x1E0]  }
0x75: {  	v11 =	vld [tilespmem:s19+$0x0]  }
0x76: {  	v13 =	vld [tilespmem:s19+$0xF0]  }
0x77: {  	v14 =	vld [tilespmem:s19+$0x100];
	v0 =	vmul.f32 $8.000000000e+00, v0  }
0x78: {  	v15 =	vld [tilespmem:s19+$0x110];
	v9 =	vmul.f32 $8.000000000e+00, v9  }
0x79: {  	v16 =	vld [tilespmem:s19+$0x120];
	v17 =	vmul.f32 $8.000000000e+00, v8;
	[tilespmem:s19+$0x1A0] =	vst v0  }
0x7a: {  	v18 =	vld [tilespmem:s19+$0x30];
	v20 =	vmul.f32 $8.000000000e+00, v6;
	[tilespmem:s19+$0x1D0] =	vst v9  }
0x7b: {  	v21 =	vld [tilespmem:s19+$0x10];
	v0 =	vmul.f32 $8.000000000e+00, v10;
	[tilespmem:s19+$0xE0] =	vst v17  }
0x7c: {  	v10 =	vmul.f32 $8.000000000e+00, v11;
	v11 =	vld [tilespmem:s19+$0x130];
	[tilespmem:s19+$0xC0] =	vst v20  }
0x7d: {  	v9 =	vmul.f32 $8.000000000e+00, v13;
	v13 =	vld [tilespmem:s19+$0x140];
	[tilespmem:s19+$0x1E0] =	vst v0  }
0x7e: {  	[tilespmem:s19+$0x0] =	vst v10;
	v0 =	vmul.f32 $8.000000000e+00, v14;
	v10 =	vld [tilespmem:s19+$0x150]  }
0x7f: {  	[tilespmem:s19+$0xF0] =	vst v9;
	v9 =	vmul.f32 $8.000000000e+00, v15;
	v14 =	vld [tilespmem:s19+$0x1F0]  }
0x80: {  	v8 =	vmul.f32 $8.000000000e+00, v1;
	v15 =	vld [tilespmem:s19+$0x50];
	[tilespmem:s19+$0x100] =	vst v0;
	v0 =	vmul.f32 $8.000000000e+00, v16  }
0x81: {  	v19 =	vld [tilespmem:s19+$0x20];
	v6 =	vmul.f32 $8.000000000e+00, v12;
	[tilespmem:s19+$0x110] =	vst v9;
	v9 =	vmul.f32 $8.000000000e+00, v11  }
0x82: {  	v22 =	vld [tilespmem:s19+$0x1B0];
	v1 =	vmul.f32 $8.000000000e+00, v21;
	[tilespmem:s19+$0x120] =	vst v0;
	v0 =	vmul.f32 $8.000000000e+00, v13  }
0x83: {  	v16 =	vld [tilespmem:s19+$0x40];
	v13 =	vmul.f32 $8.000000000e+00, v7;
	[tilespmem:s19+$0x130] =	vst v9;
	v7 =	vmul.f32 $8.000000000e+00, v10  }
0x84: {  	v11 =	vld [tilespmem:s19+$0x190];
	v9 =	vmul.f32 $8.000000000e+00, v2;
	v10 =	vmul.f32 $8.000000000e+00, v3;
	[tilespmem:s19+$0x140] =	vst v0  }
0x85: {  	v12 =	vld [tilespmem:s19+$0x1C0];
	v3 =	vmul.f32 $8.000000000e+00, v15;
	v0 =	vmul.f32 $8.000000000e+00, v14;
	[tilespmem:s19+$0xD0] =	vst v13  }
0x86: {  	v2 =	vmul.f32 $8.000000000e+00, v18;
	v14 =	vmul.f32 $8.000000000e+00, v4;
	v13 =	vld [tilespmem:s19+$0x180];
	[tilespmem:s19+$0x150] =	vst v7  }
0x87: {  	v15 =	vld [tilespmem:s19+$0x170];
	v4 =	vmul.f32 $8.000000000e+00, v19;
	v7 =	vmul.f32 $8.000000000e+00, v5;
	[tilespmem:s19+$0x1F0] =	vst v0  }
0x88: {  	s20 =	simm.s32 $0x0;
	s21 =	simm.s32 $0xE600;
	v5 =	vmul.f32 $8.000000000e+00, v22;
	v0 =	vmul.f32 $8.000000000e+00, v16;
	[tilespmem:s19+$0xB0] =	vst v14;
	v14 =	vld [tilespmem:s19+$0x160]  }
.LBB2_5:
0x89: {  	v16 =	vld [tilespmem:s21+$0x1A0];
	s20 =	sadd.s32 $0x8, s20;
	[tilespmem:s19+$0xA0] =	vst v8;
	v8 =	vmul.f32 $8.000000000e+00, v11  }
0x8a: {  	v11 =	vld [tilespmem:s21+$0xA0];
	p0 =	slt.u32 s20, $0x1F8;
	[tilespmem:s19+$0x90] =	vst v9;
	v9 =	vmul.f32 $8.000000000e+00, v12  }
0x8b: {  	v12 =	vld [tilespmem:s21+$0x90];
	[tilespmem:s19+$0x80] =	vst v10;
	v10 =	vmul.f32 $8.000000000e+00, v13  }
0x8c: {  	v13 =	vld [tilespmem:s21+$0x80];
	v15 =	vmul.f32 $8.000000000e+00, v15;
	[tilespmem:s19+$0x1C0] =	vst v9  }
0x8d: {  	v9 =	vld [tilespmem:s21+$0xB0];
	[tilespmem:s19+$0x70] =	vst v7;
	v7 =	vmul.f32 $8.000000000e+00, v14  }
0x8e: {  	v14 =	vld [tilespmem:s21+$0x70];
	v16 =	vmul.f32 $8.000000000e+00, v16;
	[tilespmem:s19+$0x180] =	vst v10  }
0x8f: {  	v10 =	vld [tilespmem:s21+$0xC0];
	[tilespmem:s19+$0x60] =	vst v6  }
0x90: {  	v6 =	vld [tilespmem:s21+$0x60];
	[tilespmem:s19+$0x170] =	vst v15  }
0x91: {  	v15 =	vld [tilespmem:s21+$0xD0];
	[tilespmem:s19+$0x50] =	vst v3  }
0x92: {  	v3 =	vld [tilespmem:s21+$0xE0];
	[tilespmem:s19+$0x160] =	vst v7  }
0x93: {  	v7 =	vld [tilespmem:s21+$0x1D0];
	[tilespmem:s19+$0x40] =	vst v0  }
0x94: {  	v0 =	vld [tilespmem:s21+$0x1E0];
	[tilespmem:s19+$0x30] =	vst v2  }
0x95: {  	v2 =	vld [tilespmem:s21+$0x0];
	[tilespmem:s19+$0x20] =	vst v4  }
0x96: {  	v4 =	vld [tilespmem:s21+$0xF0];
	[tilespmem:s19+$0x190] =	vst v8  }
0x97: {  	v8 =	vld [tilespmem:s21+$0x100];
	[tilespmem:s19+$0x10] =	vst v1  }
0x98: {  	v1 =	vld [tilespmem:s21+$0x110];
	v7 =	vmul.f32 $8.000000000e+00, v7;
	[tilespmem:s19+$0x1B0] =	vst v5;
	s19 =	smov.u32 s21  }
0x99: {  	v5 =	vld [tilespmem:s21+$0x120];
	[tilespmem:s21+$0x1A0] =	vst v16;
	v0 =	vmul.f32 $8.000000000e+00, v0  }
0x9a: {  	v16 =	vmul.f32 $8.000000000e+00, v3;
	v2 =	vmul.f32 $8.000000000e+00, v2;
	v3 =	vld [tilespmem:s21+$0x130];
	[tilespmem:s21+$0x1D0] =	vst v7  }
0x9b: {  	v15 =	vmul.f32 $8.000000000e+00, v15;
	v4 =	vmul.f32 $8.000000000e+00, v4;
	v7 =	vld [tilespmem:s21+$0x140];
	[tilespmem:s21+$0x1E0] =	vst v0  }
0x9c: {  	v17 =	vmul.f32 $8.000000000e+00, v10;
	[tilespmem:s21+$0x0] =	vst v2;
	v0 =	vmul.f32 $8.000000000e+00, v8;
	v2 =	vld [tilespmem:s21+$0x150]  }
0x9d: {  	v18 =	vmul.f32 $8.000000000e+00, v9;
	[tilespmem:s21+$0xF0] =	vst v4;
	v1 =	vmul.f32 $8.000000000e+00, v1;
	v4 =	vld [tilespmem:s21+$0x1F0]  }
0x9e: {  	v8 =	vmul.f32 $8.000000000e+00, v11;
	v19 =	vld [tilespmem:s21+$0x50];
	[tilespmem:s21+$0x100] =	vst v0;
	v0 =	vmul.f32 $8.000000000e+00, v5  }
0x9f: {  	v9 =	vmul.f32 $8.000000000e+00, v12;
	v5 =	vld [tilespmem:s21+$0x40];
	[tilespmem:s21+$0x110] =	vst v1;
	v1 =	vmul.f32 $8.000000000e+00, v3  }
0xa0: {  	v10 =	vmul.f32 $8.000000000e+00, v13;
	v12 =	vld [tilespmem:s21+$0x30];
	[tilespmem:s21+$0x120] =	vst v0;
	v0 =	vmul.f32 $8.000000000e+00, v7  }
0xa1: {  	v7 =	vmul.f32 $8.000000000e+00, v14;
	v13 =	vld [tilespmem:s21+$0x20];
	[tilespmem:s21+$0x130] =	vst v1;
	v1 =	vmul.f32 $8.000000000e+00, v2  }
0xa2: {  	v6 =	vmul.f32 $8.000000000e+00, v6;
	v14 =	vld [tilespmem:s21+$0x10];
	[tilespmem:s21+$0x140] =	vst v0;
	v2 =	vmul.f32 $8.000000000e+00, v4  }
0xa3: {  	v3 =	vmul.f32 $8.000000000e+00, v19;
	[tilespmem:s21+$0x150] =	vst v1;
	v19 =	vld [tilespmem:s21+$0x1B0]  }
.Ltmp1:
0xa4: {  	v0 =	vmul.f32 $8.000000000e+00, v5;
	v11 =	vld [tilespmem:s21+$0x190];
	[tilespmem:s21+$0x1F0] =	vst v2;
	(pc) =	sbr.rel @p0 .LBB2_5-.Ltmp1, $4  }
0xa5: {  	v2 =	vmul.f32 $8.000000000e+00, v12;
	[tilespmem:s21+$0xE0] =	vst v16;
	v12 =	vld [tilespmem:s21+$0x1C0]  }
0xa6: {  	v4 =	vmul.f32 $8.000000000e+00, v13;
	[tilespmem:s21+$0xD0] =	vst v15;
	v13 =	vld [tilespmem:s21+$0x180]  }
0xa7: {  	v1 =	vmul.f32 $8.000000000e+00, v14;
	[tilespmem:s21+$0xC0] =	vst v17;
	v15 =	vld [tilespmem:s21+$0x170]  }
0xa8: {  	s21 =	sadd.s32 $0x200, s21;
	[tilespmem:s19+$0xB0] =	vst v18;
	v14 =	vld [tilespmem:s19+$0x160];
	v5 =	vmul.f32 $8.000000000e+00, v19  }
0xa9: {  	[tilespmem:s19+$0xA0] =	vst v8  }
0xaa: {  	[tilespmem:s19+$0x90] =	vst v9  }
0xab: {  	[tilespmem:s19+$0x80] =	vst v10  }
0xac: {  	[tilespmem:s19+$0x70] =	vst v7  }
0xad: {  	[tilespmem:s19+$0x60] =	vst v6  }
0xae: {  	[tilespmem:s19+$0x50] =	vst v3  }
0xaf: {  	[tilespmem:s19+$0x40] =	vst v0  }
0xb0: {  	[tilespmem:s19+$0x30] =	vst v2  }
0xb1: {  	[tilespmem:s19+$0x20] =	vst v4  }
0xb2: {  	v63 =	vmul.f32 $8.000000000e+00, v11;
	[tilespmem:s19+$0x10] =	vst v1  }
0xb3: {  	s17 =	sadd.s32 $0x1, s17;
	v59 =	vmul.f32 $8.000000000e+00, v12;
	[tilespmem:s19+$0x1B0] =	vst v5  }
0xb4: {  	p0 =	sne.s32 s17, $0x19;
	v60 =	vmul.f32 $8.000000000e+00, v13;
	[tilespmem:s19+$0x190] =	vst v63  }
.Ltmp2:
0xb5: {  	s18 =	sshll.u32 s18, $0xF;
	[tilespmem:s19+$0x1C0] =	vst v59;
	v61 =	vmul.f32 $8.000000000e+00, v15;
	(pc) =	sbr.rel @p0 .LBB2_2-.Ltmp2, $4  }
0xb6: {  	s18 =	sadd.s32 s6, s18;
	[tilespmem:s19+$0x180] =	vst v60;
	v62 =	vmul.f32 $8.000000000e+00, v14  }
0xb7: {  	s18 =	sshrl.u32 s18, $0x3;
	[tilespmem:s19+$0x170] =	vst v61  }
0xb8: {  	s18 =	sadd.s32 s2, s18;
	[tilespmem:s19+$0x160] =	vst v62  }
0xb9: {  	[hbm4b:s18+s3] =	stream.linear.scatter [tilespmem:s11], [sflag:$0x4], $0x8000, $0x38;
	[tilespmem:$0x16400] =	vst v63  }
0xba: {  	s16 =	sadd.s32 $0x1, s16  }
0xbb: {  	_ =	swait.ge [sflag:s14], $0x8000;
	p0 =	sne.s32 s16, s7  }
.Ltmp3:
0xbc: {  	[sflag:s14] =	ssyncset.done $0x0;
	(pc) =	sbr.rel @p0 .LBB2_1-.Ltmp3, $4  }
0xbd: {  	[sflag:s14] =	ssyncadd.s32 $0xFFFF8000  }
0xbe: {  	_ =	swait.ge [sflag:s15], $0x8000  }
0xbf: {  	[sflag:s15] =	ssyncset.done $0x0  }
0xc0: {  	[sflag:s15] =	ssyncadd.s32 $0xFFFF8000  }
0xc1: {  	_ =	sfence.sel $0x180000  }
0xc2: {  	[bflag:$0x0] =	sbarrier.arrive $0xFFFF  }
0xc3: {  	p0 =	sne.s32 s0, $0x0;
	_ =	strace $0x90000047  }
0xc4: {  	s0 =	sadd.s32 @!p0 $0x100000, s1;
	[bflag:$0x2] =	sbarrier.arrive $0xFFFF  }
0xc5: {  	[sflag:s0] =	ssyncadd.tile.s32 @!p0 $0x1;
	_ =	shalt  }
.Lfunc_end2:
_tile_overlayer_lowered:
.L_overlay_start_2:
0xc6: {  	(tag) =	ssettag $0x2  }
0xc7: {  	s0 =	rddreg [dreg:$0x0];
	s2 =	stileid.u32  }
0xc8: {  	s1 =	rddreg [dreg:$0x1];
	p0 =	sne.s32 s2, $0x0  }
0xc9: {  	s3 =	rddreg [dreg:$0x2];
	[bflag:$0x3] =	sbarrier.arrive $0xFFFF;
	s2 =	simm.s32 @!p0 $0x1C05  }
0xca: {  	[timem:s3], [sflag:s2] =	dma.local @!p0 [hbm:s0], s1  }
0xcb: {  	s0 =	simm.s32 @!p0 $0x5  }
0xcc: {  	_ =	swait.ge @!p0 [sflag:s0], s1  }
0xcd: {  	s1 =	ssub.s32 @!p0 $0x0, s1;
	[sflag:s0] =	ssyncset.done @!p0 $0x0  }
0xce: {  	[sflag:s0] =	ssyncadd.s32 @!p0 s1  }
0xcf: {  	[bflag:$0x3] =	sbarrier.arrive $0xFFFF  }
0xd0: {  	_ =	shalt  }

// kernel: sparse-core-data-format-call.cloned.1.call-start
scs
called_computation_lowered:
.L_overlay_start_0:
0x0: {  	s2 =	sld [smem:$0x3FD9]  }
0x1: {  	s3 =	sld [smem:$0x3FFE];
	_ =	sdelay $0x1  }
0x2: {  	s1 =	srdreg.scid  }
0x3: {  	s0 =	sand.u32 $0x1, s1  }
0x4: {  	s18 =	sshll.u32 s0, $0xA;
	s2 =	sadd.s32 s3, s2  }
0x5: {  	s2 =	sadd.s32 s2, s18  }
0x6: {  	[smem:$0x3FC6] =	sst s2  }
0x7: {  	_ = 	snop  }
0x8: {  	s2 =	sld [smem:$0x3FD0];
	(tm) =	ssettm $0x1  }
0x9: {  	s19 =	sld [smem:$0x3FFB];
	_ =	sdelay $0x3  }
0xa: {  	_ =	strace s19  }
0xb: {  	s3 =	sld [smem:$0x3FFC];
	_ =	sdelay $0x3  }
0xc: {  	_ =	strace s3  }
0xd: {  	s3 =	sld [smem:$0x3FFD];
	_ =	sdelay $0x3  }
0xe: {  	_ =	strace s3  }
0xf: {  	_ =	strace $0x8FFFFFFF  }
0x10: {  	s20 =	sld [smem:$0x3FDB];
	_ =	sdelay $0x1  }
0x11: {  	s4 =	simm.s32 $_scs_section_size  }
0x12: {  	s5 =	simm.s32 $_size__tile_overlayer_lowered;
	s6 =	simm.s32 $_tile_overlayer_lowered  }
0x13: {  	s23 =	simm.s32 $0x1BFF;
	s22 =	sshll.u32 s6, $0x1;
	s3 =	sadd.s32 s4, s20  }
0x14: {  	s7 =	simm.s32 $0x0;
	s21 =	sshll.u32 s5, $0x1;
	s5 =	sadd.s32 s22, s3  }
0x15: {  	[timem:s7], [sflag:s23] =	dma.local [hbm:s5], s21  }
0x16: {  	_ =	swait.ge [sflag:s23], s21  }
0x17: {  	s4 =	ssub.s32 $0x0, s21;
	[sflag:s23] =	ssyncset.done $0x0  }
0x18: {  	[sflag:s23] =	ssyncadd.s32 s4;
	_ =	sdelay $0x1  }
0x19: {  	s24 =	simm.s32 $0x1B8B  }
0x1a: {  	_ =	swait.ge [sflag:s24], $0x1  }
0x1b: {  	[sflag:s24] =	ssyncset.done $0x0  }
0x1c: {  	s26 =	simm.s32 $0x1B8E;
	s25 =	sld [smem:$0x3FFE];
	[sflag:s24] =	ssyncadd.s32 $0xFFFFFFFF  }
0x1d: {  	s27 =	simm.s32 $execute0_lowered;
	[smem:$0x3FD2] =	sst s26  }
0x1e: {  	s5 =	sshll.u32 s27, $0x1;
	_ =	strace $0x80000049;
	[dreg:$0x1] =	wrdreg $0xFFFFFFFF  }
0x1f: {  	s28 =	simm.s32 $_size_execute0_lowered;
	s3 =	sadd.s32 s3, s5;
	[dreg:$0x0] =	wrdreg $0x0  }
0x20: {  	s5 =	sshll.u32 s28, $0x1;
	[dreg:$0x2] =	wrdreg s3  }
0x21: {  	[dreg:$0x3] =	wrdreg s5  }
0x22: {  	[dreg:$0x4] =	wrdreg $0xC0  }
0x23: {  	_ =	task [dreg:s7], $0x5FFFF  }
0x24: {  	[dreg:$0x1] =	wrdreg $0xFFFFFFFF  }
0x25: {  	[dreg:$0x0] =	wrdreg $0x60  }
0x26: {  	[dreg:$0x2] =	wrdreg s25  }
0x27: {  	[dreg:$0x3] =	wrdreg s2  }
0x28: {  	[dreg:$0x4] =	wrdreg $0x9  }
0x29: {  	_ =	task.clear_ibuf [dreg:s7], $0x5FFFF;
	_ =	strace $0x90000049  }
0x2a: {  	s29 =	simm.s32 $0x9;
	_ =	strace $0x8000004B  }
0x2b: {  	_ =	swait.ge [sflag:s29], $0x1  }
0x2c: {  	[sflag:s29] =	ssyncadd.s32 $0xFFFFFFFF  }
0x2d: {  	_ =	strace $0x9000004B  }
0x2e: {  	_ =	sfence  }
0x2f: {  	s30 =	sld [smem:$0x0];
	_ =	sdelay $0x2  }
0x30: {  	s31 =	sshll.u32 s1, $0xD;
	s1 =	sshrl.u32 s1, $0x2  }
0x31: {  	s3 =	sand.u32 $0x4000, s31;
	s1 =	sadd.s32 s1, s30  }
0x32: {  	s0 =	sor.u32 s3, s0;
	s1 =	sshll.u32 s1, $0x11  }
0x33: {  	s0 =	sor.u32 s1, s0  }
0x34: {  	s0 =	sadd.s32 $0x8F2B, s0  }
0x35: {  	[sflag:s0] =	ssyncadd.remote.s32 $0x1  }
0x36: {  	_ =	sfence.sel $0xFFFF  }
0x37: {  	[dreg:$0x0] =	wrdreg $0xFFFFFFFF;
	(pc) =	sbr.abs _section_cstart, $3  }
0x38: {  	[dreg:$0x1] =	wrdreg $0xFFFFFFFF  }
0x39: {  	_ =	task.clear_ibuf [dreg:s7], $0x2FFFF;
	_ =	strace $0x9FFFFFFF  }
0x3a: {  	(tm) =	ssettm $0x7FFFFFFF  }
0x3b: {  	_ =	shalt  }
tec
execute0_lowered:
.L_overlay_start_1:
0x0: {  	(tag) =	ssettag $0x1  }
0x1: {  	s0 =	srdreg.scid  }
0x2: {  	s1 =	sshll.u32 s0, $0x4  }
0x3: {  	s0 =	stileid.u32;
	s1 =	sand.u32 $0x10, s1  }
0x4: {  	s1 =	sor.u32 s0, s1  }
0x5: {  	s6 =	rddreg [dreg:$0x0];
	s4 =	simm.s32 $0x1;
	s2 =	sshll.u32 s1, $0x7  }
0x6: {  	s7 =	simm.s32 $0x2;
	s12 =	simm.s32 $0x0;
	s1 =	ssub.s32 $0x1000, s2  }
0x7: {  	s8 =	simm.s32 $0x8000;
	s13 =	simm.s32 $0x0;
	s3 =	sand.u32 $0xF80, s1  }
0x8: {  	s9 =	simm.s32 $0x0;
	s5 =	sshrl.u32 s1, $0xC;
	p0 =	sne.s32 s3, $0x0  }
.Ltmp0:
0x9: {  	s1 =	rddreg [dreg:$0x2];
	s4 =	simm.s32 @!p0 $0x0;
	(pc) =	sbr.rel .LBB1_1-.Ltmp0, $4  }
0xa: {  	s11 =	simm.s32 $0x0;
	s3 =	rddreg [dreg:$0x1];
	s5 =	sadd.s32 s4, s5  }
0xb: {  	_ =	strace $0x8000004A;
	s4 =	simm.s32 $0x1;
	s5 =	smul.u32 $0xC8, s5  }
0xc: {  	s6 =	sadd.s32 $0xA00, s6;
	s10 =	smov.u32 s2;
	[sflag:s4] =	ssyncpa.u1 $0x0  }
0xd: {  	p0 =	por $0x0, $0x0;
	[sflag:s7] =	ssyncpa.u1 $0x0;
	s7 =	sor.u32 $0x1, s5  }
.LBB1_4:
0xe: {  	s16 =	sshll.u32 s13, $0x3;
	s17 =	sand.u32 $0x78, s13  }
0xf: {  	s30 =	sand.u32 $0x7E00, s13;
	s12 =	sshll.u32 s12, $0xF;
	s16 =	sand.u32 $0xC00, s16  }
0x10: {  	[tilespmem:s15+$0x810 ss:$0x81] =	vst.msk $0xffff, v2;
	s31 =	sand.u32 $0x7, s13;
	s16 =	sor.u32 s17, s16;
	s17 =	sadd.s32 s3, s30  }
0x11: {  	[tilespmem:s15+$0x1020 ss:$0x81] =	vst.msk $0xffff, v0;
	s13 =	sshll.u32 s31, $0x12;
	s12 =	sadd.s32 s12, s17;
	s16 =	sshrl.u32 s16, $0x3  }
0x12: {  	[tilespmem:s15+$0x0 ss:$0x81] =	vst.msk $0xffff, v1;
	s13 =	sor.u32 $0x400, s13;
	s12 =	sadd.s32 s16, s12  }
0x13: {  	[hbm4b:s12+s13] =	stream.strided.scatter [tilespmem:s14], [sflag:$0x2], $0x2000, s8, s13, $0x20;
	[tilespmem:$0x8080] =	vst v63  }
.LBB1_5:
0x14: {  	s14 =	sadd.s32 $0x1, s9  }
0x15: {  	s12 =	sadd.s32 $0x1000, s10;
	s16 =	smov.u32 s10;
	p2 =	sgt.s32 s14, $0xC7  }
0x16: {  	s16 =	smov.u32 @p2 s12  }
0x17: {  	s14 =	simm.s32 @p2 $0x0;
	p2 =	sgt.s32 s16, $0xFFF  }
0x18: {  	s16 =	smov.u32 @p2 s2;
	p2 =	sne.s32 s11, s7  }
.Ltmp1:
0x19: {  	p1 =	slt.u32 s11, $0x2;
	(pc) =	sbr.rel @!p2 .LBB1_6-.Ltmp1, $4  }
0x1a: {  	s15 =	simm.s32 @!p1 $0x2  }
0x1b: {  	s13 =	smov.u32 s10;
	p0 =	por !p0, !p0;
	_ =	swait.ge @!p1 [sflag:s15], $0x2000  }
0x1c: {  	s12 =	smov.u32 s9;
	[sflag:s15] =	ssyncset.done @!p1 $0x0;
	s9 =	smov.u32 s14  }
0x1d: {  	s11 =	sadd.s32 $0x1, s11;
	[sflag:s15] =	ssyncadd.s32 @!p1 $0xFFFFE000;
	s10 =	smov.u32 s16  }
.LBB1_1:
0x1e: {  	p1 =	sge.u32 s11, s5  }
0x1f: {  	s14 =	sand.u32 @!p1 $0x1FFFFFF, s9  }
0x20: {  	s15 =	smulhi.u32 @!p1 $0x147AE15, s14;
	_ =	sdelay $0x1  }
0x21: {  	s15 =	smul.u32 @!p1 $0xC8, s15  }
0x22: {  	s16 =	sxor.u32 @!p1 $0xFFFFFFFF, s11;
	s17 =	smul.u32 @!p1 $0xC80, s10  }
0x23: {  	s31 =	sadd.s32 $0xFFFFFFFF, s11;
	s16 =	sshll.u32 @!p1 s16, $0xD;
	s14 =	ssub.s32 @!p1 s14, s15  }
0x24: {  	s15 =	sand.u32 @!p1 $0x2000, s16;
	s16 =	sadd.s32 @!p1 s6, s17;
	s14 =	sshll.u32 @!p1 s14, $0x4  }
0x25: {  	s17 =	simm.s32 @!p1 $0x6400;
	s14 =	sadd.s32 @!p1 s14, s16;
	s16 =	simm.s32 @!p1 $0x40  }
0x26: {  	[tilespmem:s15], [sflag:$0x1] =	stream.strided.gather @!p1 [hbm4b:s14+s16], $0x2000, s17, s16, $0x38;
	[tilespmem:$0x8080] =	vst v63  }
0x27: {  	p1 =	sge.u32 s31, s5  }
.Ltmp2:
0x28: {  	_ = 	snop;
	(pc) =	sbr.rel @p1 .LBB1_5-.Ltmp2, $1  }
0x29: {  	_ =	sdelay $0x3  }
0x2a: {  	s14 =	simm.s32 $0x1  }
0x2b: {  	_ =	swait.ge [sflag:s4], $0x2000;
	s14 =	simm.s32 @!p0 $0x0  }
0x2c: {  	[sflag:s4] =	ssyncset.done $0x0;
	s15 =	sshll.u32 s14, $0xD  }
0x2d: {  	[sflag:s4] =	ssyncadd.s32 $0xFFFFE000;
	s18 =	sor.u32 $0x20, s15  }
0x2e: {  	s14 =	smul.u32 $0x8100, s14;
	v3 =	vld [tilespmem:s18+$0x10]  }
0x2f: {  	s30 =	sand.u32 $0x1, s11;
	v2 =	vld [tilespmem:s18+$0xFFFFFFF0]  }
0x30: {  	s15 =	smul.u32 $0x8100, s30;
	s14 =	sshrl.u32 s14, $0x2;
	v0 =	vld [tilespmem:s18+$0x0]  }
0x31: {  	v1 =	vld [tilespmem:s18+$0xFFFFFFE0];
	s16 =	sor.u32 $0x4000, s14  }
0x32: {  	s31 =	sshrl.u32 s15, $0x2;
	s15 =	sadd.s32 $0x0, s16  }
0x33: {  	s17 =	simm.s32 $0x4;
	s18 =	sadd.s32 $0x40, s18;
	s14 =	sor.u32 $0x4000, s31;
	[tilespmem:s15+$0x1830 ss:$0x81] =	vst.msk $0xffff, v3  }
.LBB1_3:
0x34: {  	v3 =	vld [tilespmem:s18+$0x10];
	p1 =	sne.s32 s17, $0x1FC;
	[tilespmem:s15+$0x810 ss:$0x81] =	vst.msk $0xffff, v2;
	s19 =	smov.u32 s17;
	s17 =	sadd.s32 $0x4, s17  }
.Ltmp3:
0x35: {  	v2 =	vld [tilespmem:s18+$0xFFFFFFF0];
	[tilespmem:s15+$0x1020 ss:$0x81] =	vst.msk $0xffff, v0;
	(pc) =	sbr.rel @p1 .LBB1_3-.Ltmp3, $4  }
0x36: {  	v0 =	vld [tilespmem:s18+$0x0];
	[tilespmem:s15+$0x0 ss:$0x81] =	vst.msk $0xffff, v1  }
0x37: {  	s15 =	sshra.s32 s19, $0x2;
	v1 =	vld [tilespmem:s18+$0xFFFFFFE0]  }
0x38: {  	s15 =	sadd.s32 s15, s16  }
0x39: {  	s18 =	sadd.s32 $0x40, s18;
	[tilespmem:s15+$0x1830 ss:$0x81] =	vst.msk $0xffff, v3  }
.Ltmp4:
0x3a: {  	_ = 	snop;
	(pc) =	sbr.rel .LBB1_4-.Ltmp4, $1  }
0x3b: {  	_ =	sdelay $0x3  }
.LBB1_6:
0x3c: {  	_ =	sfence.sel $0x180000  }
0x3d: {  	s2 =	simm.s32 $0x1;
	[bflag:$0x0] =	sbarrier.arrive $0xFFFF  }
0x3e: {  	s31 =	simm.s32 $0x2;
	[sflag:s2] =	ssyncpa.u1 $0x1  }
0x3f: {  	[sflag:s31] =	ssyncpa.u1 $0x1  }
0x40: {  	p0 =	sne.s32 s0, $0x0;
	_ =	strace $0x9000004A  }
0x41: {  	s0 =	sadd.s32 @!p0 $0x100000, s1;
	[bflag:$0x2] =	sbarrier.arrive $0xFFFF  }
0x42: {  	[sflag:s0] =	ssyncadd.tile.s32 @!p0 $0x1;
	_ =	shalt  }
.Lfunc_end1:
_tile_overlayer_lowered:
.L_overlay_start_2:
0x43: {  	(tag) =	ssettag $0x2  }
0x44: {  	s0 =	rddreg [dreg:$0x0];
	s2 =	stileid.u32  }
0x45: {  	s1 =	rddreg [dreg:$0x1];
	p0 =	sne.s32 s2, $0x0  }
0x46: {  	s3 =	rddreg [dreg:$0x2];
	[bflag:$0x3] =	sbarrier.arrive $0xFFFF;
	s2 =	simm.s32 @!p0 $0x1C01  }
0x47: {  	[timem:s3], [sflag:s2] =	dma.local @!p0 [hbm:s0], s1  }
0x48: {  	s0 =	simm.s32 @!p0 $0x1  }
0x49: {  	_ =	swait.ge @!p0 [sflag:s0], s1  }
0x4a: {  	s1 =	ssub.s32 @!p0 $0x0, s1;
	[sflag:s0] =	ssyncset.done @!p0 $0x0  }
0x4b: {  	[sflag:s0] =	ssyncadd.s32 @!p0 s1  }
0x4c: {  	[bflag:$0x3] =	sbarrier.arrive $0xFFFF  }
0x4d: {  	_ =	shalt  }

</sc_bundles>
